<compile_context>
chip_gen: v7x
topology: tpu7x:2x2x1
jax: 0.10.2.dev20260603
libtpu: 0.0.44.dev20260713+nightly
codegen_flags: <defaults>
</compile_context>

<pallas_src>
import jax
import jax.numpy as jnp
from jax import lax
from jax.experimental import pallas as pl
from jax.experimental.pallas import tpu as pltpu
from jax.experimental.pallas import tpu_sc as plsc

_NUM_VOICES = 1000
_MAX_LENGTH = 510
_STYLE_DIM = 256
_BATCH = 16384

_NC = 2
_NS = 16
_LANES = 16
_NW = _NC * _NS
_BPW = _BATCH // _NW

_SIZES = (32, 96, 96, 96, 96, 64, 32)
_OFFS = tuple(sum(_SIZES[:i]) for i in range(len(_SIZES)))
_NCHUNK = len(_SIZES)
_NB = 4
_BUF_ROWS = max(_SIZES)


def _body(vid_hbm, len_hbm, tab_hbm, out_hbm,
          vid_v, len_v, idx_v, rows_v,
          si0, si1, gs0, gs1, gs2, gs3, os0, os1, os2, os3):
    wid = lax.axis_index("s") * _NC + lax.axis_index("c")
    base = wid * _BPW

    cin_v = pltpu.async_copy(vid_hbm.at[pl.ds(base, _BPW)], vid_v, si0)
    cin_l = pltpu.async_copy(len_hbm.at[pl.ds(base, _BPW)], len_v, si1)
    cin_v.wait()
    cin_l.wait()

    gsems = (gs0, gs1, gs2, gs3)
    osems = (os0, os1, os2, os3)

    def compute_idx(c):
        for j in range(_SIZES[c] // _LANES):
            o = _OFFS[c] + j * _LANES
            v = vid_v[pl.ds(o, _LANES)]
            l = len_v[pl.ds(o, _LANES)]
            idx_v[pl.ds(o, _LANES)] = (
                (jnp.clip(l, 1, _MAX_LENGTH) - 1) * _NUM_VOICES + v)

    def fire_gather(c):
        o, n = _OFFS[c], _SIZES[c]
        return pltpu.async_copy(
            tab_hbm.at[idx_v.at[pl.ds(o, n)]],
            rows_v.at[c % _NB, pl.ds(0, n)], gsems[c % _NB])

    def fire_out(c):
        o, n = _OFFS[c], _SIZES[c]
        return pltpu.async_copy(
            rows_v.at[c % _NB, pl.ds(0, n)],
            out_hbm.at[pl.ds(base + o, n)], osems[c % _NB])

    g = [None] * _NCHUNK
    o = [None] * _NCHUNK
    compute_idx(0)
    g[0] = fire_gather(0)
    compute_idx(1)
    g[1] = fire_gather(1)

    def idx_body(i, carry):
        off = pl.multiple_of(_OFFS[2] + i * _LANES, _LANES)
        v = vid_v[pl.ds(off, _LANES)]
        l = len_v[pl.ds(off, _LANES)]
        idx_v[pl.ds(off, _LANES)] = (
            (jnp.clip(l, 1, _MAX_LENGTH) - 1) * _NUM_VOICES + v)
        return carry

    lax.fori_loop(0, (_BPW - _OFFS[2]) // _LANES, idx_body, 0)
    for c in range(2, _NB):
        g[c] = fire_gather(c)
    for c in range(_NCHUNK):
        g[c].wait()
        o[c] = fire_out(c)
        if c + _NB < _NCHUNK:
            o[c].wait()
            g[c + _NB] = fire_gather(c + _NB)
    for c in range(max(0, _NCHUNK - _NB), _NCHUNK):
        o[c].wait()


@jax.jit
def _lookup(voice_ids, phoneme_lengths, table_flat):
    mesh = plsc.VectorSubcoreMesh(core_axis_name="c", subcore_axis_name="s")
    f = pl.kernel(
        _body,
        out_type=jax.ShapeDtypeStruct((_BATCH, _STYLE_DIM), jnp.float32),
        mesh=mesh,
        scratch_types=[
            pltpu.VMEM((_BPW,), jnp.int32),
            pltpu.VMEM((_BPW,), jnp.int32),
            pltpu.VMEM((_BPW,), jnp.int32),
            pltpu.VMEM((_NB, _BUF_ROWS, _STYLE_DIM), jnp.float32),
        ] + [pltpu.SemaphoreType.DMA] * 10,
    )
    return f(voice_ids, phoneme_lengths, table_flat)


def kernel(voice_ids, phoneme_lengths, table):
    table_flat = table.transpose(1, 0, 2).reshape(
        _MAX_LENGTH * _NUM_VOICES, _STYLE_DIM)
    return _lookup(voice_ids.astype(jnp.int32),
                   phoneme_lengths.astype(jnp.int32), table_flat)

# --- scband reference (transcript-rebuilt; emitter-appended) ---
"""Pipeline reference for scband-trainable-voicepack-table-14448269984127 (READ-ONLY COPY).

The authoritative reference and input builder live on the scoring server;
editing this copy changes nothing except your own understanding.
"""

import jax, jax.numpy as jnp
import numpy as np

NUM_VOICES = 1000
MAX_LENGTH = 510
STYLE_DIM = 256
BATCH = 16384

def setup_inputs(seed: int = 0) -> dict:
    key = jax.random.key(seed)
    k1, k2, k3 = jax.random.split(key, 3)
    voice_ids = jax.random.randint(k1, (BATCH,), 0, NUM_VOICES, dtype=jnp.int64 if jax.config.jax_enable_x64 else jnp.int32)
    phoneme_lengths = jax.random.randint(k2, (BATCH,), 0, MAX_LENGTH, dtype=jnp.int64 if jax.config.jax_enable_x64 else jnp.int32)
    table = 0.02 * jax.random.normal(k3, (NUM_VOICES, MAX_LENGTH, STYLE_DIM), dtype=jnp.float32)
    return {"voice_ids": voice_ids, "phoneme_lengths": phoneme_lengths, "table": table}

def reference(voice_ids, phoneme_lengths, table):
    max_length = table.shape[1]
    idx = jnp.clip(phoneme_lengths, 1, max_length) - 1
    return table[voice_ids, idx]

if __name__ == "__main__":
    import jax
    _d = setup_inputs()
    print(jax.jit(kernel)(*tuple(_d.values())))

</pallas_src>

<mosaic_0001>
#map = affine_map<(d0, d1) -> (0)>
#map1 = affine_map<(d0, d1) -> (0, 0)>
module attributes {stable_mosaic.version = 14 : i64} {
  func.func @_body(%arg0: i32, %arg1: i32, %arg2: memref<16384xi32, #tpu.memory_space<hbm>>, %arg3: memref<16384xi32, #tpu.memory_space<hbm>>, %arg4: memref<510000x256xf32, #tpu.memory_space<hbm>>, %arg5: memref<16384x256xf32, #tpu.memory_space<hbm>>, %arg6: memref<512xi32, #tpu.memory_space<vmem>>, %arg7: memref<512xi32, #tpu.memory_space<vmem>>, %arg8: memref<512xi32, #tpu.memory_space<vmem>>, %arg9: memref<4x96x256xf32, #tpu.memory_space<vmem>>, %arg10: memref<!tpu.dma_semaphore, #tpu.memory_space<semaphore_mem>>, %arg11: memref<!tpu.dma_semaphore, #tpu.memory_space<semaphore_mem>>, %arg12: memref<!tpu.dma_semaphore, #tpu.memory_space<semaphore_mem>>, %arg13: memref<!tpu.dma_semaphore, #tpu.memory_space<semaphore_mem>>, %arg14: memref<!tpu.dma_semaphore, #tpu.memory_space<semaphore_mem>>, %arg15: memref<!tpu.dma_semaphore, #tpu.memory_space<semaphore_mem>>, %arg16: memref<!tpu.dma_semaphore, #tpu.memory_space<semaphore_mem>>, %arg17: memref<!tpu.dma_semaphore, #tpu.memory_space<semaphore_mem>>, %arg18: memref<!tpu.dma_semaphore, #tpu.memory_space<semaphore_mem>>, %arg19: memref<!tpu.dma_semaphore, #tpu.memory_space<semaphore_mem>>) attributes {dimension_semantics = [#tpu.dimension_semantics<core_parallel>, #tpu.dimension_semantics<subcore_parallel>], iteration_bounds = array<i64: 2, 16>, scalar_prefetch = 0 : i64, scratch_operands = 14 : i64, tpu.core_type = #tpu.core_type<sc_vector_subcore>, window_params = [{transform_indices = #map}, {transform_indices = #map}, {transform_indices = #map1}, {transform_indices = #map1}]} {
    %mul3A = arith.constant 2 : i32
    %mul3A_0 = arith.muli %arg1, %mul3A : i32
    %add3A = arith.addi %mul3A_0, %arg0 : i32
    %mul3A_1 = arith.constant 512 : i32
    %mul3A_2 = arith.muli %add3A, %mul3A_1 : i32
    %dma_start3A = tpu.memref_slice %arg2[%mul3A_2] : memref<16384xi32, #tpu.memory_space<hbm>> -> memref<512xi32, #tpu.memory_space<hbm>>
    %dma_start3A_3 = tpu.memref_slice %arg2[%mul3A_2] : memref<16384xi32, #tpu.memory_space<hbm>> -> memref<512xi32, #tpu.memory_space<hbm>>
    tpu.enqueue_dma source(%dma_start3A_3 : memref<512xi32, #tpu.memory_space<hbm>>) target(%arg6 : memref<512xi32, #tpu.memory_space<vmem>>) target_semaphore(%arg10 : memref<!tpu.dma_semaphore, #tpu.memory_space<semaphore_mem>>)
    %dma_start3A_4 = tpu.memref_slice %arg3[%mul3A_2] : memref<16384xi32, #tpu.memory_space<hbm>> -> memref<512xi32, #tpu.memory_space<hbm>>
    %dma_start3A_5 = tpu.memref_slice %arg3[%mul3A_2] : memref<16384xi32, #tpu.memory_space<hbm>> -> memref<512xi32, #tpu.memory_space<hbm>>
    tpu.enqueue_dma source(%dma_start3A_5 : memref<512xi32, #tpu.memory_space<hbm>>) target(%arg7 : memref<512xi32, #tpu.memory_space<vmem>>) target_semaphore(%arg11 : memref<!tpu.dma_semaphore, #tpu.memory_space<semaphore_mem>>)
    %dma_wait3A = tpu.memref_slice %arg2[%mul3A_2] : memref<16384xi32, #tpu.memory_space<hbm>> -> memref<512xi32, #tpu.memory_space<hbm>>
    %dma_wait3A_6 = tpu.memref_slice %arg2[%mul3A_2] : memref<16384xi32, #tpu.memory_space<hbm>> -> memref<512xi32, #tpu.memory_space<hbm>>
    tpu.wait_dma2 semaphore(%arg10 : memref<!tpu.dma_semaphore, #tpu.memory_space<semaphore_mem>>) src(%dma_wait3A_6 : memref<512xi32, #tpu.memory_space<hbm>>) dst(%arg6 : memref<512xi32, #tpu.memory_space<vmem>>)
    %dma_wait3A_7 = tpu.memref_slice %arg3[%mul3A_2] : memref<16384xi32, #tpu.memory_space<hbm>> -> memref<512xi32, #tpu.memory_space<hbm>>
    %dma_wait3A_8 = tpu.memref_slice %arg3[%mul3A_2] : memref<16384xi32, #tpu.memory_space<hbm>> -> memref<512xi32, #tpu.memory_space<hbm>>
    tpu.wait_dma2 semaphore(%arg11 : memref<!tpu.dma_semaphore, #tpu.memory_space<semaphore_mem>>) src(%dma_wait3A_8 : memref<512xi32, #tpu.memory_space<hbm>>) dst(%arg7 : memref<512xi32, #tpu.memory_space<vmem>>)
    %get3A = arith.constant 0 : index
    %get3A_9 = tpu.vector_load %arg6[%get3A] {strides = array<i32>} : memref<512xi32, #tpu.memory_space<vmem>>, vector<16xi32>,
    %get3A_10 = vector.shape_cast %get3A_9 : vector<16xi32> to vector<16xi32>
    %get3A_11 = arith.constant 0 : index
    %get3A_12 = tpu.vector_load %arg7[%get3A_11] {strides = array<i32>} : memref<512xi32, #tpu.memory_space<vmem>>, vector<16xi32>,
    %get3A_13 = vector.shape_cast %get3A_12 : vector<16xi32> to vector<16xi32>
    %jit3A = arith.constant 1 : i32
    %jit3A_14 = arith.constant 510 : i32
    %max3A = vector.broadcast %jit3A : i32 to vector<16xi32>
    %max3A_15 = arith.maxsi %max3A, %get3A_13 : vector<16xi32>
    %min3A = vector.broadcast %jit3A_14 : i32 to vector<16xi32>
    %min3A_16 = arith.minsi %min3A, %max3A_15 : vector<16xi32>
    %sub3A = arith.constant 1 : i32
    %sub3A_17 = vector.broadcast %sub3A : i32 to vector<16xi32>
    %sub3A_18 = arith.subi %min3A_16, %sub3A_17 : vector<16xi32>
    %mul3A_19 = arith.constant 1000 : i32
    %mul3A_20 = vector.broadcast %mul3A_19 : i32 to vector<16xi32>
    %mul3A_21 = arith.muli %sub3A_18, %mul3A_20 : vector<16xi32>
    %add3A_22 = arith.addi %mul3A_21, %get3A_10 : vector<16xi32>
    %swap3A = arith.constant 0 : index
    %swap3A_23 = tpu.vector_load %arg8[%swap3A] {strides = array<i32>} : memref<512xi32, #tpu.memory_space<vmem>>, vector<16xi32>,
    %swap3A_24 = vector.shape_cast %swap3A_23 : vector<16xi32> to vector<16xi32>
    %swap3A_25 = vector.shape_cast %add3A_22 : vector<16xi32> to vector<16xi32>
    tpu.vector_store %arg8[%swap3A], %swap3A_25 {strides = array<i32>} : memref<512xi32, #tpu.memory_space<vmem>>, vector<16xi32>,
    %get3A_26 = arith.constant 16 : index
    %get3A_27 = tpu.vector_load %arg6[%get3A_26] {strides = array<i32>} : memref<512xi32, #tpu.memory_space<vmem>>, vector<16xi32>,
    %get3A_28 = vector.shape_cast %get3A_27 : vector<16xi32> to vector<16xi32>
    %get3A_29 = arith.constant 16 : index
    %get3A_30 = tpu.vector_load %arg7[%get3A_29] {strides = array<i32>} : memref<512xi32, #tpu.memory_space<vmem>>, vector<16xi32>,
    %get3A_31 = vector.shape_cast %get3A_30 : vector<16xi32> to vector<16xi32>
    %jit3A_32 = arith.constant 1 : i32
    %jit3A_33 = arith.constant 510 : i32
    %max3A_34 = vector.broadcast %jit3A_32 : i32 to vector<16xi32>
    %max3A_35 = arith.maxsi %max3A_34, %get3A_31 : vector<16xi32>
    %min3A_36 = vector.broadcast %jit3A_33 : i32 to vector<16xi32>
    %min3A_37 = arith.minsi %min3A_36, %max3A_35 : vector<16xi32>
    %sub3A_38 = arith.constant 1 : i32
    %sub3A_39 = vector.broadcast %sub3A_38 : i32 to vector<16xi32>
    %sub3A_40 = arith.subi %min3A_37, %sub3A_39 : vector<16xi32>
    %mul3A_41 = arith.constant 1000 : i32
    %mul3A_42 = vector.broadcast %mul3A_41 : i32 to vector<16xi32>
    %mul3A_43 = arith.muli %sub3A_40, %mul3A_42 : vector<16xi32>
    %add3A_44 = arith.addi %mul3A_43, %get3A_28 : vector<16xi32>
    %swap3A_45 = arith.constant 16 : index
    %swap3A_46 = tpu.vector_load %arg8[%swap3A_45] {strides = array<i32>} : memref<512xi32, #tpu.memory_space<vmem>>, vector<16xi32>,
    %swap3A_47 = vector.shape_cast %swap3A_46 : vector<16xi32> to vector<16xi32>
    %swap3A_48 = vector.shape_cast %add3A_44 : vector<16xi32> to vector<16xi32>
    tpu.vector_store %arg8[%swap3A_45], %swap3A_48 {strides = array<i32>} : memref<512xi32, #tpu.memory_space<vmem>>, vector<16xi32>,
    %dma_start3A_49 = arith.constant 0 : i32
    %dma_start3A_50 = arith.constant 0 : i32
    %dma_start3A_51 = arith.constant 0 : i32
    %dma_start3A_52 = tpu.memref_slice %arg9[%dma_start3A_49, %dma_start3A_50, %dma_start3A_51] : memref<4x96x256xf32, #tpu.memory_space<vmem>> -> memref<1x32x256xf32, #tpu.memory_space<vmem>>
    %dma_start3A_53 = tpu.memref_squeeze %dma_start3A_52 : memref<1x32x256xf32, #tpu.memory_space<vmem>> -> memref<32x256xf32, #tpu.memory_space<vmem>>
    %dma_start3A_54 = arith.constant 0 : i32
    %dma_start3A_55 = tpu.memref_slice %arg8[%dma_start3A_54] : memref<512xi32, #tpu.memory_space<vmem>> -> memref<32xi32, #tpu.memory_space<vmem>>
    %dma_start3A_56 = arith.constant 0 : i32
    %dma_start3A_57 = arith.constant 0 : i32
    %dma_start3A_58 = tpu.memref_slice %arg4[%dma_start3A_56, %dma_start3A_57] : memref<510000x256xf32, #tpu.memory_space<hbm>> -> memref<510000x256xf32, #tpu.memory_space<hbm>>
    tpu.enqueue_indirect_dma source(%dma_start3A_58 : memref<510000x256xf32, #tpu.memory_space<hbm>>) target(%dma_start3A_53 : memref<32x256xf32, #tpu.memory_space<vmem>>) offsets(%dma_start3A_55 : memref<32xi32, #tpu.memory_space<vmem>>) semaphore(%arg12 : memref<!tpu.dma_semaphore, #tpu.memory_space<semaphore_mem>>)
    %get3A_59 = arith.constant 32 : index
    %get3A_60 = tpu.vector_load %arg6[%get3A_59] {strides = array<i32>} : memref<512xi32, #tpu.memory_space<vmem>>, vector<16xi32>,
    %get3A_61 = vector.shape_cast %get3A_60 : vector<16xi32> to vector<16xi32>
    %get3A_62 = arith.constant 32 : index
    %get3A_63 = tpu.vector_load %arg7[%get3A_62] {strides = array<i32>} : memref<512xi32, #tpu.memory_space<vmem>>, vector<16xi32>,
    %get3A_64 = vector.shape_cast %get3A_63 : vector<16xi32> to vector<16xi32>
    %jit3A_65 = arith.constant 1 : i32
    %jit3A_66 = arith.constant 510 : i32
    %max3A_67 = vector.broadcast %jit3A_65 : i32 to vector<16xi32>
    %max3A_68 = arith.maxsi %max3A_67, %get3A_64 : vector<16xi32>
    %min3A_69 = vector.broadcast %jit3A_66 : i32 to vector<16xi32>
    %min3A_70 = arith.minsi %min3A_69, %max3A_68 : vector<16xi32>
    %sub3A_71 = arith.constant 1 : i32
    %sub3A_72 = vector.broadcast %sub3A_71 : i32 to vector<16xi32>
    %sub3A_73 = arith.subi %min3A_70, %sub3A_72 : vector<16xi32>
    %mul3A_74 = arith.constant 1000 : i32
    %mul3A_75 = vector.broadcast %mul3A_74 : i32 to vector<16xi32>
    %mul3A_76 = arith.muli %sub3A_73, %mul3A_75 : vector<16xi32>
    %add3A_77 = arith.addi %mul3A_76, %get3A_61 : vector<16xi32>
    %swap3A_78 = arith.constant 32 : index
    %swap3A_79 = tpu.vector_load %arg8[%swap3A_78] {strides = array<i32>} : memref<512xi32, #tpu.memory_space<vmem>>, vector<16xi32>,
    %swap3A_80 = vector.shape_cast %swap3A_79 : vector<16xi32> to vector<16xi32>
    %swap3A_81 = vector.shape_cast %add3A_77 : vector<16xi32> to vector<16xi32>
    tpu.vector_store %arg8[%swap3A_78], %swap3A_81 {strides = array<i32>} : memref<512xi32, #tpu.memory_space<vmem>>, vector<16xi32>,
    %get3A_82 = arith.constant 48 : index
    %get3A_83 = tpu.vector_load %arg6[%get3A_82] {strides = array<i32>} : memref<512xi32, #tpu.memory_space<vmem>>, vector<16xi32>,
    %get3A_84 = vector.shape_cast %get3A_83 : vector<16xi32> to vector<16xi32>
    %get3A_85 = arith.constant 48 : index
    %get3A_86 = tpu.vector_load %arg7[%get3A_85] {strides = array<i32>} : memref<512xi32, #tpu.memory_space<vmem>>, vector<16xi32>,
    %get3A_87 = vector.shape_cast %get3A_86 : vector<16xi32> to vector<16xi32>
    %jit3A_88 = arith.constant 1 : i32
    %jit3A_89 = arith.constant 510 : i32
    %max3A_90 = vector.broadcast %jit3A_88 : i32 to vector<16xi32>
    %max3A_91 = arith.maxsi %max3A_90, %get3A_87 : vector<16xi32>
    %min3A_92 = vector.broadcast %jit3A_89 : i32 to vector<16xi32>
    %min3A_93 = arith.minsi %min3A_92, %max3A_91 : vector<16xi32>
    %sub3A_94 = arith.constant 1 : i32
    %sub3A_95 = vector.broadcast %sub3A_94 : i32 to vector<16xi32>
    %sub3A_96 = arith.subi %min3A_93, %sub3A_95 : vector<16xi32>
    %mul3A_97 = arith.constant 1000 : i32
    %mul3A_98 = vector.broadcast %mul3A_97 : i32 to vector<16xi32>
    %mul3A_99 = arith.muli %sub3A_96, %mul3A_98 : vector<16xi32>
    %add3A_100 = arith.addi %mul3A_99, %get3A_84 : vector<16xi32>
    %swap3A_101 = arith.constant 48 : index
    %swap3A_102 = tpu.vector_load %arg8[%swap3A_101] {strides = array<i32>} : memref<512xi32, #tpu.memory_space<vmem>>, vector<16xi32>,
    %swap3A_103 = vector.shape_cast %swap3A_102 : vector<16xi32> to vector<16xi32>
    %swap3A_104 = vector.shape_cast %add3A_100 : vector<16xi32> to vector<16xi32>
    tpu.vector_store %arg8[%swap3A_101], %swap3A_104 {strides = array<i32>} : memref<512xi32, #tpu.memory_space<vmem>>, vector<16xi32>,
    %get3A_105 = arith.constant 64 : index
    %get3A_106 = tpu.vector_load %arg6[%get3A_105] {strides = array<i32>} : memref<512xi32, #tpu.memory_space<vmem>>, vector<16xi32>,
    %get3A_107 = vector.shape_cast %get3A_106 : vector<16xi32> to vector<16xi32>
    %get3A_108 = arith.constant 64 : index
    %get3A_109 = tpu.vector_load %arg7[%get3A_108] {strides = array<i32>} : memref<512xi32, #tpu.memory_space<vmem>>, vector<16xi32>,
    %get3A_110 = vector.shape_cast %get3A_109 : vector<16xi32> to vector<16xi32>
    %jit3A_111 = arith.constant 1 : i32
    %jit3A_112 = arith.constant 510 : i32
    %max3A_113 = vector.broadcast %jit3A_111 : i32 to vector<16xi32>
    %max3A_114 = arith.maxsi %max3A_113, %get3A_110 : vector<16xi32>
    %min3A_115 = vector.broadcast %jit3A_112 : i32 to vector<16xi32>
    %min3A_116 = arith.minsi %min3A_115, %max3A_114 : vector<16xi32>
    %sub3A_117 = arith.constant 1 : i32
    %sub3A_118 = vector.broadcast %sub3A_117 : i32 to vector<16xi32>
    %sub3A_119 = arith.subi %min3A_116, %sub3A_118 : vector<16xi32>
    %mul3A_120 = arith.constant 1000 : i32
    %mul3A_121 = vector.broadcast %mul3A_120 : i32 to vector<16xi32>
    %mul3A_122 = arith.muli %sub3A_119, %mul3A_121 : vector<16xi32>
    %add3A_123 = arith.addi %mul3A_122, %get3A_107 : vector<16xi32>
    %swap3A_124 = arith.constant 64 : index
    %swap3A_125 = tpu.vector_load %arg8[%swap3A_124] {strides = array<i32>} : memref<512xi32, #tpu.memory_space<vmem>>, vector<16xi32>,
    %swap3A_126 = vector.shape_cast %swap3A_125 : vector<16xi32> to vector<16xi32>
    %swap3A_127 = vector.shape_cast %add3A_123 : vector<16xi32> to vector<16xi32>
    tpu.vector_store %arg8[%swap3A_124], %swap3A_127 {strides = array<i32>} : memref<512xi32, #tpu.memory_space<vmem>>, vector<16xi32>,
    %get3A_128 = arith.constant 80 : index
    %get3A_129 = tpu.vector_load %arg6[%get3A_128] {strides = array<i32>} : memref<512xi32, #tpu.memory_space<vmem>>, vector<16xi32>,
    %get3A_130 = vector.shape_cast %get3A_129 : vector<16xi32> to vector<16xi32>
    %get3A_131 = arith.constant 80 : index
    %get3A_132 = tpu.vector_load %arg7[%get3A_131] {strides = array<i32>} : memref<512xi32, #tpu.memory_space<vmem>>, vector<16xi32>,
    %get3A_133 = vector.shape_cast %get3A_132 : vector<16xi32> to vector<16xi32>
    %jit3A_134 = arith.constant 1 : i32
    %jit3A_135 = arith.constant 510 : i32
    %max3A_136 = vector.broadcast %jit3A_134 : i32 to vector<16xi32>
    %max3A_137 = arith.maxsi %max3A_136, %get3A_133 : vector<16xi32>
    %min3A_138 = vector.broadcast %jit3A_135 : i32 to vector<16xi32>
    %min3A_139 = arith.minsi %min3A_138, %max3A_137 : vector<16xi32>
    %sub3A_140 = arith.constant 1 : i32
    %sub3A_141 = vector.broadcast %sub3A_140 : i32 to vector<16xi32>
    %sub3A_142 = arith.subi %min3A_139, %sub3A_141 : vector<16xi32>
    %mul3A_143 = arith.constant 1000 : i32
    %mul3A_144 = vector.broadcast %mul3A_143 : i32 to vector<16xi32>
    %mul3A_145 = arith.muli %sub3A_142, %mul3A_144 : vector<16xi32>
    %add3A_146 = arith.addi %mul3A_145, %get3A_130 : vector<16xi32>
    %swap3A_147 = arith.constant 80 : index
    %swap3A_148 = tpu.vector_load %arg8[%swap3A_147] {strides = array<i32>} : memref<512xi32, #tpu.memory_space<vmem>>, vector<16xi32>,
    %swap3A_149 = vector.shape_cast %swap3A_148 : vector<16xi32> to vector<16xi32>
    %swap3A_150 = vector.shape_cast %add3A_146 : vector<16xi32> to vector<16xi32>
    tpu.vector_store %arg8[%swap3A_147], %swap3A_150 {strides = array<i32>} : memref<512xi32, #tpu.memory_space<vmem>>, vector<16xi32>,
    %get3A_151 = arith.constant 96 : index
    %get3A_152 = tpu.vector_load %arg6[%get3A_151] {strides = array<i32>} : memref<512xi32, #tpu.memory_space<vmem>>, vector<16xi32>,
    %get3A_153 = vector.shape_cast %get3A_152 : vector<16xi32> to vector<16xi32>
    %get3A_154 = arith.constant 96 : index
    %get3A_155 = tpu.vector_load %arg7[%get3A_154] {strides = array<i32>} : memref<512xi32, #tpu.memory_space<vmem>>, vector<16xi32>,
    %get3A_156 = vector.shape_cast %get3A_155 : vector<16xi32> to vector<16xi32>
    %jit3A_157 = arith.constant 1 : i32
    %jit3A_158 = arith.constant 510 : i32
    %max3A_159 = vector.broadcast %jit3A_157 : i32 to vector<16xi32>
    %max3A_160 = arith.maxsi %max3A_159, %get3A_156 : vector<16xi32>
    %min3A_161 = vector.broadcast %jit3A_158 : i32 to vector<16xi32>
    %min3A_162 = arith.minsi %min3A_161, %max3A_160 : vector<16xi32>
    %sub3A_163 = arith.constant 1 : i32
    %sub3A_164 = vector.broadcast %sub3A_163 : i32 to vector<16xi32>
    %sub3A_165 = arith.subi %min3A_162, %sub3A_164 : vector<16xi32>
    %mul3A_166 = arith.constant 1000 : i32
    %mul3A_167 = vector.broadcast %mul3A_166 : i32 to vector<16xi32>
    %mul3A_168 = arith.muli %sub3A_165, %mul3A_167 : vector<16xi32>
    %add3A_169 = arith.addi %mul3A_168, %get3A_153 : vector<16xi32>
    %swap3A_170 = arith.constant 96 : index
    %swap3A_171 = tpu.vector_load %arg8[%swap3A_170] {strides = array<i32>} : memref<512xi32, #tpu.memory_space<vmem>>, vector<16xi32>,
    %swap3A_172 = vector.shape_cast %swap3A_171 : vector<16xi32> to vector<16xi32>
    %swap3A_173 = vector.shape_cast %add3A_169 : vector<16xi32> to vector<16xi32>
    tpu.vector_store %arg8[%swap3A_170], %swap3A_173 {strides = array<i32>} : memref<512xi32, #tpu.memory_space<vmem>>, vector<16xi32>,
    %get3A_174 = arith.constant 112 : index
    %get3A_175 = tpu.vector_load %arg6[%get3A_174] {strides = array<i32>} : memref<512xi32, #tpu.memory_space<vmem>>, vector<16xi32>,
    %get3A_176 = vector.shape_cast %get3A_175 : vector<16xi32> to vector<16xi32>
    %get3A_177 = arith.constant 112 : index
    %get3A_178 = tpu.vector_load %arg7[%get3A_177] {strides = array<i32>} : memref<512xi32, #tpu.memory_space<vmem>>, vector<16xi32>,
    %get3A_179 = vector.shape_cast %get3A_178 : vector<16xi32> to vector<16xi32>
    %jit3A_180 = arith.constant 1 : i32
    %jit3A_181 = arith.constant 510 : i32
    %max3A_182 = vector.broadcast %jit3A_180 : i32 to vector<16xi32>
    %max3A_183 = arith.maxsi %max3A_182, %get3A_179 : vector<16xi32>
    %min3A_184 = vector.broadcast %jit3A_181 : i32 to vector<16xi32>
    %min3A_185 = arith.minsi %min3A_184, %max3A_183 : vector<16xi32>
    %sub3A_186 = arith.constant 1 : i32
    %sub3A_187 = vector.broadcast %sub3A_186 : i32 to vector<16xi32>
    %sub3A_188 = arith.subi %min3A_185, %sub3A_187 : vector<16xi32>
    %mul3A_189 = arith.constant 1000 : i32
    %mul3A_190 = vector.broadcast %mul3A_189 : i32 to vector<16xi32>
    %mul3A_191 = arith.muli %sub3A_188, %mul3A_190 : vector<16xi32>
    %add3A_192 = arith.addi %mul3A_191, %get3A_176 : vector<16xi32>
    %swap3A_193 = arith.constant 112 : index
    %swap3A_194 = tpu.vector_load %arg8[%swap3A_193] {strides = array<i32>} : memref<512xi32, #tpu.memory_space<vmem>>, vector<16xi32>,
    %swap3A_195 = vector.shape_cast %swap3A_194 : vector<16xi32> to vector<16xi32>
    %swap3A_196 = vector.shape_cast %add3A_192 : vector<16xi32> to vector<16xi32>
    tpu.vector_store %arg8[%swap3A_193], %swap3A_196 {strides = array<i32>} : memref<512xi32, #tpu.memory_space<vmem>>, vector<16xi32>,
    %dma_start3A_197 = arith.constant 1 : i32
    %dma_start3A_198 = arith.constant 0 : i32
    %dma_start3A_199 = arith.constant 0 : i32
    %dma_start3A_200 = tpu.memref_slice %arg9[%dma_start3A_197, %dma_start3A_198, %dma_start3A_199] : memref<4x96x256xf32, #tpu.memory_space<vmem>> -> memref<1x96x256xf32, #tpu.memory_space<vmem>>
    %dma_start3A_201 = tpu.memref_squeeze %dma_start3A_200 : memref<1x96x256xf32, #tpu.memory_space<vmem>> -> memref<96x256xf32, #tpu.memory_space<vmem>>
    %dma_start3A_202 = arith.constant 32 : i32
    %dma_start3A_203 = tpu.memref_slice %arg8[%dma_start3A_202] : memref<512xi32, #tpu.memory_space<vmem>> -> memref<96xi32, #tpu.memory_space<vmem>>
    %dma_start3A_204 = arith.constant 0 : i32
    %dma_start3A_205 = arith.constant 0 : i32
    %dma_start3A_206 = tpu.memref_slice %arg4[%dma_start3A_204, %dma_start3A_205] : memref<510000x256xf32, #tpu.memory_space<hbm>> -> memref<510000x256xf32, #tpu.memory_space<hbm>>
    tpu.enqueue_indirect_dma source(%dma_start3A_206 : memref<510000x256xf32, #tpu.memory_space<hbm>>) target(%dma_start3A_201 : memref<96x256xf32, #tpu.memory_space<vmem>>) offsets(%dma_start3A_203 : memref<96xi32, #tpu.memory_space<vmem>>) semaphore(%arg13 : memref<!tpu.dma_semaphore, #tpu.memory_space<semaphore_mem>>)
    %scan3A = arith.constant 0 : i32
    %scan3A_207 = arith.constant 0 : i32
    %scan3A_208 = arith.constant 24 : i32
    %scan3A_209 = arith.addi %scan3A_207, %scan3A_208 : i32
    %scan3A_210 = arith.constant 1 : i32
    scf.for %scan3A_528 = %scan3A_207 to %scan3A_209 step %scan3A_210  : i32 {
      %mul3A_529 = arith.constant 16 : i32
      %mul3A_530 = arith.muli %scan3A_528, %mul3A_529 : i32
      %add3A_531 = arith.constant 128 : i32
      %add3A_532 = arith.addi %add3A_531, %mul3A_530 : i32
      %multiple_of3A = tpu.assume_multiple %add3A_532, 16 : i32
      %get3A_533 = arith.index_cast %multiple_of3A : i32 to index
      %get3A_534 = tpu.vector_load %arg6[%get3A_533] {strides = array<i32>} : memref<512xi32, #tpu.memory_space<vmem>>, vector<16xi32>,
      %get3A_535 = vector.shape_cast %get3A_534 : vector<16xi32> to vector<16xi32>
      %get3A_536 = arith.index_cast %multiple_of3A : i32 to index
      %get3A_537 = tpu.vector_load %arg7[%get3A_536] {strides = array<i32>} : memref<512xi32, #tpu.memory_space<vmem>>, vector<16xi32>,
      %get3A_538 = vector.shape_cast %get3A_537 : vector<16xi32> to vector<16xi32>
      %jit3A_539 = arith.constant 1 : i32
      %jit3A_540 = arith.constant 510 : i32
      %max3A_541 = vector.broadcast %jit3A_539 : i32 to vector<16xi32>
      %max3A_542 = arith.maxsi %max3A_541, %get3A_538 : vector<16xi32>
      %min3A_543 = vector.broadcast %jit3A_540 : i32 to vector<16xi32>
      %min3A_544 = arith.minsi %min3A_543, %max3A_542 : vector<16xi32>
      %sub3A_545 = arith.constant 1 : i32
      %sub3A_546 = vector.broadcast %sub3A_545 : i32 to vector<16xi32>
      %sub3A_547 = arith.subi %min3A_544, %sub3A_546 : vector<16xi32>
      %mul3A_548 = arith.constant 1000 : i32
      %mul3A_549 = vector.broadcast %mul3A_548 : i32 to vector<16xi32>
      %mul3A_550 = arith.muli %sub3A_547, %mul3A_549 : vector<16xi32>
      %add3A_551 = arith.addi %mul3A_550, %get3A_535 : vector<16xi32>
      %swap3A_552 = arith.index_cast %multiple_of3A : i32 to index
      %swap3A_553 = tpu.vector_load %arg8[%swap3A_552] {strides = array<i32>} : memref<512xi32, #tpu.memory_space<vmem>>, vector<16xi32>,
      %swap3A_554 = vector.shape_cast %swap3A_553 : vector<16xi32> to vector<16xi32>
      %swap3A_555 = vector.shape_cast %add3A_551 : vector<16xi32> to vector<16xi32>
      tpu.vector_store %arg8[%swap3A_552], %swap3A_555 {strides = array<i32>} : memref<512xi32, #tpu.memory_space<vmem>>, vector<16xi32>,
    }
    %scan3A_211 = arith.constant 24 : i32
    %dma_start3A_212 = arith.constant 2 : i32
    %dma_start3A_213 = arith.constant 0 : i32
    %dma_start3A_214 = arith.constant 0 : i32
    %dma_start3A_215 = tpu.memref_slice %arg9[%dma_start3A_212, %dma_start3A_213, %dma_start3A_214] : memref<4x96x256xf32, #tpu.memory_space<vmem>> -> memref<1x96x256xf32, #tpu.memory_space<vmem>>
    %dma_start3A_216 = tpu.memref_squeeze %dma_start3A_215 : memref<1x96x256xf32, #tpu.memory_space<vmem>> -> memref<96x256xf32, #tpu.memory_space<vmem>>
    %dma_start3A_217 = arith.constant 128 : i32
    %dma_start3A_218 = tpu.memref_slice %arg8[%dma_start3A_217] : memref<512xi32, #tpu.memory_space<vmem>> -> memref<96xi32, #tpu.memory_space<vmem>>
    %dma_start3A_219 = arith.constant 0 : i32
    %dma_start3A_220 = arith.constant 0 : i32
    %dma_start3A_221 = tpu.memref_slice %arg4[%dma_start3A_219, %dma_start3A_220] : memref<510000x256xf32, #tpu.memory_space<hbm>> -> memref<510000x256xf32, #tpu.memory_space<hbm>>
    tpu.enqueue_indirect_dma source(%dma_start3A_221 : memref<510000x256xf32, #tpu.memory_space<hbm>>) target(%dma_start3A_216 : memref<96x256xf32, #tpu.memory_space<vmem>>) offsets(%dma_start3A_218 : memref<96xi32, #tpu.memory_space<vmem>>) semaphore(%arg14 : memref<!tpu.dma_semaphore, #tpu.memory_space<semaphore_mem>>)
    %dma_start3A_222 = arith.constant 3 : i32
    %dma_start3A_223 = arith.constant 0 : i32
    %dma_start3A_224 = arith.constant 0 : i32
    %dma_start3A_225 = tpu.memref_slice %arg9[%dma_start3A_222, %dma_start3A_223, %dma_start3A_224] : memref<4x96x256xf32, #tpu.memory_space<vmem>> -> memref<1x96x256xf32, #tpu.memory_space<vmem>>
    %dma_start3A_226 = tpu.memref_squeeze %dma_start3A_225 : memref<1x96x256xf32, #tpu.memory_space<vmem>> -> memref<96x256xf32, #tpu.memory_space<vmem>>
    %dma_start3A_227 = arith.constant 224 : i32
    %dma_start3A_228 = tpu.memref_slice %arg8[%dma_start3A_227] : memref<512xi32, #tpu.memory_space<vmem>> -> memref<96xi32, #tpu.memory_space<vmem>>
    %dma_start3A_229 = arith.constant 0 : i32
    %dma_start3A_230 = arith.constant 0 : i32
    %dma_start3A_231 = tpu.memref_slice %arg4[%dma_start3A_229, %dma_start3A_230] : memref<510000x256xf32, #tpu.memory_space<hbm>> -> memref<510000x256xf32, #tpu.memory_space<hbm>>
    tpu.enqueue_indirect_dma source(%dma_start3A_231 : memref<510000x256xf32, #tpu.memory_space<hbm>>) target(%dma_start3A_226 : memref<96x256xf32, #tpu.memory_space<vmem>>) offsets(%dma_start3A_228 : memref<96xi32, #tpu.memory_space<vmem>>) semaphore(%arg15 : memref<!tpu.dma_semaphore, #tpu.memory_space<semaphore_mem>>)
    %dma_wait3A_232 = arith.constant 0 : i32
    %dma_wait3A_233 = arith.constant 0 : i32
    %dma_wait3A_234 = arith.constant 0 : i32
    %dma_wait3A_235 = tpu.memref_slice %arg9[%dma_wait3A_232, %dma_wait3A_233, %dma_wait3A_234] : memref<4x96x256xf32, #tpu.memory_space<vmem>> -> memref<1x32x256xf32, #tpu.memory_space<vmem>>
    %dma_wait3A_236 = tpu.memref_squeeze %dma_wait3A_235 : memref<1x32x256xf32, #tpu.memory_space<vmem>> -> memref<32x256xf32, #tpu.memory_space<vmem>>
    %dma_wait3A_237 = arith.constant 0 : i32
    %dma_wait3A_238 = tpu.memref_slice %arg8[%dma_wait3A_237] : memref<512xi32, #tpu.memory_space<vmem>> -> memref<32xi32, #tpu.memory_space<vmem>>
    %dma_wait3A_239 = arith.constant 0 : i32
    %dma_wait3A_240 = arith.constant 0 : i32
    %dma_wait3A_241 = tpu.memref_slice %arg4[%dma_wait3A_239, %dma_wait3A_240] : memref<510000x256xf32, #tpu.memory_space<hbm>> -> memref<510000x256xf32, #tpu.memory_space<hbm>>
    tpu.wait_indirect_dma semaphore(%arg12 : memref<!tpu.dma_semaphore, #tpu.memory_space<semaphore_mem>>) src(%dma_wait3A_241 : memref<510000x256xf32, #tpu.memory_space<hbm>>) dst(%dma_wait3A_236 : memref<32x256xf32, #tpu.memory_space<vmem>>)
    %add3A_242 = arith.constant 0 : i32
    %add3A_243 = arith.addi %mul3A_2, %add3A_242 : i32
    %dma_start3A_244 = arith.constant 0 : i32
    %dma_start3A_245 = arith.constant 0 : i32
    %dma_start3A_246 = arith.constant 0 : i32
    %dma_start3A_247 = tpu.memref_slice %arg9[%dma_start3A_244, %dma_start3A_245, %dma_start3A_246] : memref<4x96x256xf32, #tpu.memory_space<vmem>> -> memref<1x32x256xf32, #tpu.memory_space<vmem>>
    %dma_start3A_248 = tpu.memref_squeeze %dma_start3A_247 : memref<1x32x256xf32, #tpu.memory_space<vmem>> -> memref<32x256xf32, #tpu.memory_space<vmem>>
    %dma_start3A_249 = arith.constant 0 : i32
    %dma_start3A_250 = tpu.memref_slice %arg5[%add3A_243, %dma_start3A_249] : memref<16384x256xf32, #tpu.memory_space<hbm>> -> memref<32x256xf32, #tpu.memory_space<hbm>>
    %dma_start3A_251 = arith.constant 0 : i32
    %dma_start3A_252 = tpu.memref_slice %arg5[%add3A_243, %dma_start3A_251] : memref<16384x256xf32, #tpu.memory_space<hbm>> -> memref<32x256xf32, #tpu.memory_space<hbm>>
    %dma_start3A_253 = arith.constant 0 : i32
    %dma_start3A_254 = arith.constant 0 : i32
    %dma_start3A_255 = tpu.memref_slice %arg9[%dma_start3A_244, %dma_start3A_253, %dma_start3A_254] : memref<4x96x256xf32, #tpu.memory_space<vmem>> -> memref<1x32x256xf32, #tpu.memory_space<vmem>>
    %dma_start3A_256 = tpu.memref_squeeze %dma_start3A_255 : memref<1x32x256xf32, #tpu.memory_space<vmem>> -> memref<32x256xf32, #tpu.memory_space<vmem>>
    tpu.enqueue_dma source(%dma_start3A_256 : memref<32x256xf32, #tpu.memory_space<vmem>>) target(%dma_start3A_252 : memref<32x256xf32, #tpu.memory_space<hbm>>) target_semaphore(%arg16 : memref<!tpu.dma_semaphore, #tpu.memory_space<semaphore_mem>>)
    %dma_wait3A_257 = arith.constant 0 : i32
    %dma_wait3A_258 = arith.constant 0 : i32
    %dma_wait3A_259 = arith.constant 0 : i32
    %dma_wait3A_260 = tpu.memref_slice %arg9[%dma_wait3A_257, %dma_wait3A_258, %dma_wait3A_259] : memref<4x96x256xf32, #tpu.memory_space<vmem>> -> memref<1x32x256xf32, #tpu.memory_space<vmem>>
    %dma_wait3A_261 = tpu.memref_squeeze %dma_wait3A_260 : memref<1x32x256xf32, #tpu.memory_space<vmem>> -> memref<32x256xf32, #tpu.memory_space<vmem>>
    %dma_wait3A_262 = arith.constant 0 : i32
    %dma_wait3A_263 = tpu.memref_slice %arg5[%add3A_243, %dma_wait3A_262] : memref<16384x256xf32, #tpu.memory_space<hbm>> -> memref<32x256xf32, #tpu.memory_space<hbm>>
    %dma_wait3A_264 = arith.constant 0 : i32
    %dma_wait3A_265 = tpu.memref_slice %arg5[%add3A_243, %dma_wait3A_264] : memref<16384x256xf32, #tpu.memory_space<hbm>> -> memref<32x256xf32, #tpu.memory_space<hbm>>
    %dma_wait3A_266 = arith.constant 0 : i32
    %dma_wait3A_267 = arith.constant 0 : i32
    %dma_wait3A_268 = tpu.memref_slice %arg9[%dma_wait3A_257, %dma_wait3A_266, %dma_wait3A_267] : memref<4x96x256xf32, #tpu.memory_space<vmem>> -> memref<1x32x256xf32, #tpu.memory_space<vmem>>
    %dma_wait3A_269 = tpu.memref_squeeze %dma_wait3A_268 : memref<1x32x256xf32, #tpu.memory_space<vmem>> -> memref<32x256xf32, #tpu.memory_space<vmem>>
    tpu.wait_dma2 semaphore(%arg16 : memref<!tpu.dma_semaphore, #tpu.memory_space<semaphore_mem>>) src(%dma_wait3A_269 : memref<32x256xf32, #tpu.memory_space<vmem>>) dst(%dma_wait3A_265 : memref<32x256xf32, #tpu.memory_space<hbm>>)
    %dma_start3A_270 = arith.constant 0 : i32
    %dma_start3A_271 = arith.constant 0 : i32
    %dma_start3A_272 = arith.constant 0 : i32
    %dma_start3A_273 = tpu.memref_slice %arg9[%dma_start3A_270, %dma_start3A_271, %dma_start3A_272] : memref<4x96x256xf32, #tpu.memory_space<vmem>> -> memref<1x96x256xf32, #tpu.memory_space<vmem>>
    %dma_start3A_274 = tpu.memref_squeeze %dma_start3A_273 : memref<1x96x256xf32, #tpu.memory_space<vmem>> -> memref<96x256xf32, #tpu.memory_space<vmem>>
    %dma_start3A_275 = arith.constant 320 : i32
    %dma_start3A_276 = tpu.memref_slice %arg8[%dma_start3A_275] : memref<512xi32, #tpu.memory_space<vmem>> -> memref<96xi32, #tpu.memory_space<vmem>>
    %dma_start3A_277 = arith.constant 0 : i32
    %dma_start3A_278 = arith.constant 0 : i32
    %dma_start3A_279 = tpu.memref_slice %arg4[%dma_start3A_277, %dma_start3A_278] : memref<510000x256xf32, #tpu.memory_space<hbm>> -> memref<510000x256xf32, #tpu.memory_space<hbm>>
    tpu.enqueue_indirect_dma source(%dma_start3A_279 : memref<510000x256xf32, #tpu.memory_space<hbm>>) target(%dma_start3A_274 : memref<96x256xf32, #tpu.memory_space<vmem>>) offsets(%dma_start3A_276 : memref<96xi32, #tpu.memory_space<vmem>>) semaphore(%arg12 : memref<!tpu.dma_semaphore, #tpu.memory_space<semaphore_mem>>)
    %dma_wait3A_280 = arith.constant 1 : i32
    %dma_wait3A_281 = arith.constant 0 : i32
    %dma_wait3A_282 = arith.constant 0 : i32
    %dma_wait3A_283 = tpu.memref_slice %arg9[%dma_wait3A_280, %dma_wait3A_281, %dma_wait3A_282] : memref<4x96x256xf32, #tpu.memory_space<vmem>> -> memref<1x96x256xf32, #tpu.memory_space<vmem>>
    %dma_wait3A_284 = tpu.memref_squeeze %dma_wait3A_283 : memref<1x96x256xf32, #tpu.memory_space<vmem>> -> memref<96x256xf32, #tpu.memory_space<vmem>>
    %dma_wait3A_285 = arith.constant 32 : i32
    %dma_wait3A_286 = tpu.memref_slice %arg8[%dma_wait3A_285] : memref<512xi32, #tpu.memory_space<vmem>> -> memref<96xi32, #tpu.memory_space<vmem>>
    %dma_wait3A_287 = arith.constant 0 : i32
    %dma_wait3A_288 = arith.constant 0 : i32
    %dma_wait3A_289 = tpu.memref_slice %arg4[%dma_wait3A_287, %dma_wait3A_288] : memref<510000x256xf32, #tpu.memory_space<hbm>> -> memref<510000x256xf32, #tpu.memory_space<hbm>>
    tpu.wait_indirect_dma semaphore(%arg13 : memref<!tpu.dma_semaphore, #tpu.memory_space<semaphore_mem>>) src(%dma_wait3A_289 : memref<510000x256xf32, #tpu.memory_space<hbm>>) dst(%dma_wait3A_284 : memref<96x256xf32, #tpu.memory_space<vmem>>)
    %add3A_290 = arith.constant 32 : i32
    %add3A_291 = arith.addi %mul3A_2, %add3A_290 : i32
    %dma_start3A_292 = arith.constant 1 : i32
    %dma_start3A_293 = arith.constant 0 : i32
    %dma_start3A_294 = arith.constant 0 : i32
    %dma_start3A_295 = tpu.memref_slice %arg9[%dma_start3A_292, %dma_start3A_293, %dma_start3A_294] : memref<4x96x256xf32, #tpu.memory_space<vmem>> -> memref<1x96x256xf32, #tpu.memory_space<vmem>>
    %dma_start3A_296 = tpu.memref_squeeze %dma_start3A_295 : memref<1x96x256xf32, #tpu.memory_space<vmem>> -> memref<96x256xf32, #tpu.memory_space<vmem>>
    %dma_start3A_297 = arith.constant 0 : i32
    %dma_start3A_298 = tpu.memref_slice %arg5[%add3A_291, %dma_start3A_297] : memref<16384x256xf32, #tpu.memory_space<hbm>> -> memref<96x256xf32, #tpu.memory_space<hbm>>
    %dma_start3A_299 = arith.constant 0 : i32
    %dma_start3A_300 = tpu.memref_slice %arg5[%add3A_291, %dma_start3A_299] : memref<16384x256xf32, #tpu.memory_space<hbm>> -> memref<96x256xf32, #tpu.memory_space<hbm>>
    %dma_start3A_301 = arith.constant 0 : i32
    %dma_start3A_302 = arith.constant 0 : i32
    %dma_start3A_303 = tpu.memref_slice %arg9[%dma_start3A_292, %dma_start3A_301, %dma_start3A_302] : memref<4x96x256xf32, #tpu.memory_space<vmem>> -> memref<1x96x256xf32, #tpu.memory_space<vmem>>
    %dma_start3A_304 = tpu.memref_squeeze %dma_start3A_303 : memref<1x96x256xf32, #tpu.memory_space<vmem>> -> memref<96x256xf32, #tpu.memory_space<vmem>>
    tpu.enqueue_dma source(%dma_start3A_304 : memref<96x256xf32, #tpu.memory_space<vmem>>) target(%dma_start3A_300 : memref<96x256xf32, #tpu.memory_space<hbm>>) target_semaphore(%arg17 : memref<!tpu.dma_semaphore, #tpu.memory_space<semaphore_mem>>)
    %dma_wait3A_305 = arith.constant 1 : i32
    %dma_wait3A_306 = arith.constant 0 : i32
    %dma_wait3A_307 = arith.constant 0 : i32
    %dma_wait3A_308 = tpu.memref_slice %arg9[%dma_wait3A_305, %dma_wait3A_306, %dma_wait3A_307] : memref<4x96x256xf32, #tpu.memory_space<vmem>> -> memref<1x96x256xf32, #tpu.memory_space<vmem>>
    %dma_wait3A_309 = tpu.memref_squeeze %dma_wait3A_308 : memref<1x96x256xf32, #tpu.memory_space<vmem>> -> memref<96x256xf32, #tpu.memory_space<vmem>>
    %dma_wait3A_310 = arith.constant 0 : i32
    %dma_wait3A_311 = tpu.memref_slice %arg5[%add3A_291, %dma_wait3A_310] : memref<16384x256xf32, #tpu.memory_space<hbm>> -> memref<96x256xf32, #tpu.memory_space<hbm>>
    %dma_wait3A_312 = arith.constant 0 : i32
    %dma_wait3A_313 = tpu.memref_slice %arg5[%add3A_291, %dma_wait3A_312] : memref<16384x256xf32, #tpu.memory_space<hbm>> -> memref<96x256xf32, #tpu.memory_space<hbm>>
    %dma_wait3A_314 = arith.constant 0 : i32
    %dma_wait3A_315 = arith.constant 0 : i32
    %dma_wait3A_316 = tpu.memref_slice %arg9[%dma_wait3A_305, %dma_wait3A_314, %dma_wait3A_315] : memref<4x96x256xf32, #tpu.memory_space<vmem>> -> memref<1x96x256xf32, #tpu.memory_space<vmem>>
    %dma_wait3A_317 = tpu.memref_squeeze %dma_wait3A_316 : memref<1x96x256xf32, #tpu.memory_space<vmem>> -> memref<96x256xf32, #tpu.memory_space<vmem>>
    tpu.wait_dma2 semaphore(%arg17 : memref<!tpu.dma_semaphore, #tpu.memory_space<semaphore_mem>>) src(%dma_wait3A_317 : memref<96x256xf32, #tpu.memory_space<vmem>>) dst(%dma_wait3A_313 : memref<96x256xf32, #tpu.memory_space<hbm>>)
    %dma_start3A_318 = arith.constant 1 : i32
    %dma_start3A_319 = arith.constant 0 : i32
    %dma_start3A_320 = arith.constant 0 : i32
    %dma_start3A_321 = tpu.memref_slice %arg9[%dma_start3A_318, %dma_start3A_319, %dma_start3A_320] : memref<4x96x256xf32, #tpu.memory_space<vmem>> -> memref<1x64x256xf32, #tpu.memory_space<vmem>>
    %dma_start3A_322 = tpu.memref_squeeze %dma_start3A_321 : memref<1x64x256xf32, #tpu.memory_space<vmem>> -> memref<64x256xf32, #tpu.memory_space<vmem>>
    %dma_start3A_323 = arith.constant 416 : i32
    %dma_start3A_324 = tpu.memref_slice %arg8[%dma_start3A_323] : memref<512xi32, #tpu.memory_space<vmem>> -> memref<64xi32, #tpu.memory_space<vmem>>
    %dma_start3A_325 = arith.constant 0 : i32
    %dma_start3A_326 = arith.constant 0 : i32
    %dma_start3A_327 = tpu.memref_slice %arg4[%dma_start3A_325, %dma_start3A_326] : memref<510000x256xf32, #tpu.memory_space<hbm>> -> memref<510000x256xf32, #tpu.memory_space<hbm>>
    tpu.enqueue_indirect_dma source(%dma_start3A_327 : memref<510000x256xf32, #tpu.memory_space<hbm>>) target(%dma_start3A_322 : memref<64x256xf32, #tpu.memory_space<vmem>>) offsets(%dma_start3A_324 : memref<64xi32, #tpu.memory_space<vmem>>) semaphore(%arg13 : memref<!tpu.dma_semaphore, #tpu.memory_space<semaphore_mem>>)
    %dma_wait3A_328 = arith.constant 2 : i32
    %dma_wait3A_329 = arith.constant 0 : i32
    %dma_wait3A_330 = arith.constant 0 : i32
    %dma_wait3A_331 = tpu.memref_slice %arg9[%dma_wait3A_328, %dma_wait3A_329, %dma_wait3A_330] : memref<4x96x256xf32, #tpu.memory_space<vmem>> -> memref<1x96x256xf32, #tpu.memory_space<vmem>>
    %dma_wait3A_332 = tpu.memref_squeeze %dma_wait3A_331 : memref<1x96x256xf32, #tpu.memory_space<vmem>> -> memref<96x256xf32, #tpu.memory_space<vmem>>
    %dma_wait3A_333 = arith.constant 128 : i32
    %dma_wait3A_334 = tpu.memref_slice %arg8[%dma_wait3A_333] : memref<512xi32, #tpu.memory_space<vmem>> -> memref<96xi32, #tpu.memory_space<vmem>>
    %dma_wait3A_335 = arith.constant 0 : i32
    %dma_wait3A_336 = arith.constant 0 : i32
    %dma_wait3A_337 = tpu.memref_slice %arg4[%dma_wait3A_335, %dma_wait3A_336] : memref<510000x256xf32, #tpu.memory_space<hbm>> -> memref<510000x256xf32, #tpu.memory_space<hbm>>
    tpu.wait_indirect_dma semaphore(%arg14 : memref<!tpu.dma_semaphore, #tpu.memory_space<semaphore_mem>>) src(%dma_wait3A_337 : memref<510000x256xf32, #tpu.memory_space<hbm>>) dst(%dma_wait3A_332 : memref<96x256xf32, #tpu.memory_space<vmem>>)
    %add3A_338 = arith.constant 128 : i32
    %add3A_339 = arith.addi %mul3A_2, %add3A_338 : i32
    %dma_start3A_340 = arith.constant 2 : i32
    %dma_start3A_341 = arith.constant 0 : i32
    %dma_start3A_342 = arith.constant 0 : i32
    %dma_start3A_343 = tpu.memref_slice %arg9[%dma_start3A_340, %dma_start3A_341, %dma_start3A_342] : memref<4x96x256xf32, #tpu.memory_space<vmem>> -> memref<1x96x256xf32, #tpu.memory_space<vmem>>
    %dma_start3A_344 = tpu.memref_squeeze %dma_start3A_343 : memref<1x96x256xf32, #tpu.memory_space<vmem>> -> memref<96x256xf32, #tpu.memory_space<vmem>>
    %dma_start3A_345 = arith.constant 0 : i32
    %dma_start3A_346 = tpu.memref_slice %arg5[%add3A_339, %dma_start3A_345] : memref<16384x256xf32, #tpu.memory_space<hbm>> -> memref<96x256xf32, #tpu.memory_space<hbm>>
    %dma_start3A_347 = arith.constant 0 : i32
    %dma_start3A_348 = tpu.memref_slice %arg5[%add3A_339, %dma_start3A_347] : memref<16384x256xf32, #tpu.memory_space<hbm>> -> memref<96x256xf32, #tpu.memory_space<hbm>>
    %dma_start3A_349 = arith.constant 0 : i32
    %dma_start3A_350 = arith.constant 0 : i32
    %dma_start3A_351 = tpu.memref_slice %arg9[%dma_start3A_340, %dma_start3A_349, %dma_start3A_350] : memref<4x96x256xf32, #tpu.memory_space<vmem>> -> memref<1x96x256xf32, #tpu.memory_space<vmem>>
    %dma_start3A_352 = tpu.memref_squeeze %dma_start3A_351 : memref<1x96x256xf32, #tpu.memory_space<vmem>> -> memref<96x256xf32, #tpu.memory_space<vmem>>
    tpu.enqueue_dma source(%dma_start3A_352 : memref<96x256xf32, #tpu.memory_space<vmem>>) target(%dma_start3A_348 : memref<96x256xf32, #tpu.memory_space<hbm>>) target_semaphore(%arg18 : memref<!tpu.dma_semaphore, #tpu.memory_space<semaphore_mem>>)
    %dma_wait3A_353 = arith.constant 2 : i32
    %dma_wait3A_354 = arith.constant 0 : i32
    %dma_wait3A_355 = arith.constant 0 : i32
    %dma_wait3A_356 = tpu.memref_slice %arg9[%dma_wait3A_353, %dma_wait3A_354, %dma_wait3A_355] : memref<4x96x256xf32, #tpu.memory_space<vmem>> -> memref<1x96x256xf32, #tpu.memory_space<vmem>>
    %dma_wait3A_357 = tpu.memref_squeeze %dma_wait3A_356 : memref<1x96x256xf32, #tpu.memory_space<vmem>> -> memref<96x256xf32, #tpu.memory_space<vmem>>
    %dma_wait3A_358 = arith.constant 0 : i32
    %dma_wait3A_359 = tpu.memref_slice %arg5[%add3A_339, %dma_wait3A_358] : memref<16384x256xf32, #tpu.memory_space<hbm>> -> memref<96x256xf32, #tpu.memory_space<hbm>>
    %dma_wait3A_360 = arith.constant 0 : i32
    %dma_wait3A_361 = tpu.memref_slice %arg5[%add3A_339, %dma_wait3A_360] : memref<16384x256xf32, #tpu.memory_space<hbm>> -> memref<96x256xf32, #tpu.memory_space<hbm>>
    %dma_wait3A_362 = arith.constant 0 : i32
    %dma_wait3A_363 = arith.constant 0 : i32
    %dma_wait3A_364 = tpu.memref_slice %arg9[%dma_wait3A_353, %dma_wait3A_362, %dma_wait3A_363] : memref<4x96x256xf32, #tpu.memory_space<vmem>> -> memref<1x96x256xf32, #tpu.memory_space<vmem>>
    %dma_wait3A_365 = tpu.memref_squeeze %dma_wait3A_364 : memref<1x96x256xf32, #tpu.memory_space<vmem>> -> memref<96x256xf32, #tpu.memory_space<vmem>>
    tpu.wait_dma2 semaphore(%arg18 : memref<!tpu.dma_semaphore, #tpu.memory_space<semaphore_mem>>) src(%dma_wait3A_365 : memref<96x256xf32, #tpu.memory_space<vmem>>) dst(%dma_wait3A_361 : memref<96x256xf32, #tpu.memory_space<hbm>>)
    %dma_start3A_366 = arith.constant 2 : i32
    %dma_start3A_367 = arith.constant 0 : i32
    %dma_start3A_368 = arith.constant 0 : i32
    %dma_start3A_369 = tpu.memref_slice %arg9[%dma_start3A_366, %dma_start3A_367, %dma_start3A_368] : memref<4x96x256xf32, #tpu.memory_space<vmem>> -> memref<1x32x256xf32, #tpu.memory_space<vmem>>
    %dma_start3A_370 = tpu.memref_squeeze %dma_start3A_369 : memref<1x32x256xf32, #tpu.memory_space<vmem>> -> memref<32x256xf32, #tpu.memory_space<vmem>>
    %dma_start3A_371 = arith.constant 480 : i32
    %dma_start3A_372 = tpu.memref_slice %arg8[%dma_start3A_371] : memref<512xi32, #tpu.memory_space<vmem>> -> memref<32xi32, #tpu.memory_space<vmem>>
    %dma_start3A_373 = arith.constant 0 : i32
    %dma_start3A_374 = arith.constant 0 : i32
    %dma_start3A_375 = tpu.memref_slice %arg4[%dma_start3A_373, %dma_start3A_374] : memref<510000x256xf32, #tpu.memory_space<hbm>> -> memref<510000x256xf32, #tpu.memory_space<hbm>>
    tpu.enqueue_indirect_dma source(%dma_start3A_375 : memref<510000x256xf32, #tpu.memory_space<hbm>>) target(%dma_start3A_370 : memref<32x256xf32, #tpu.memory_space<vmem>>) offsets(%dma_start3A_372 : memref<32xi32, #tpu.memory_space<vmem>>) semaphore(%arg14 : memref<!tpu.dma_semaphore, #tpu.memory_space<semaphore_mem>>)
    %dma_wait3A_376 = arith.constant 3 : i32
    %dma_wait3A_377 = arith.constant 0 : i32
    %dma_wait3A_378 = arith.constant 0 : i32
    %dma_wait3A_379 = tpu.memref_slice %arg9[%dma_wait3A_376, %dma_wait3A_377, %dma_wait3A_378] : memref<4x96x256xf32, #tpu.memory_space<vmem>> -> memref<1x96x256xf32, #tpu.memory_space<vmem>>
    %dma_wait3A_380 = tpu.memref_squeeze %dma_wait3A_379 : memref<1x96x256xf32, #tpu.memory_space<vmem>> -> memref<96x256xf32, #tpu.memory_space<vmem>>
    %dma_wait3A_381 = arith.constant 224 : i32
    %dma_wait3A_382 = tpu.memref_slice %arg8[%dma_wait3A_381] : memref<512xi32, #tpu.memory_space<vmem>> -> memref<96xi32, #tpu.memory_space<vmem>>
    %dma_wait3A_383 = arith.constant 0 : i32
    %dma_wait3A_384 = arith.constant 0 : i32
    %dma_wait3A_385 = tpu.memref_slice %arg4[%dma_wait3A_383, %dma_wait3A_384] : memref<510000x256xf32, #tpu.memory_space<hbm>> -> memref<510000x256xf32, #tpu.memory_space<hbm>>
    tpu.wait_indirect_dma semaphore(%arg15 : memref<!tpu.dma_semaphore, #tpu.memory_space<semaphore_mem>>) src(%dma_wait3A_385 : memref<510000x256xf32, #tpu.memory_space<hbm>>) dst(%dma_wait3A_380 : memref<96x256xf32, #tpu.memory_space<vmem>>)
    %add3A_386 = arith.constant 224 : i32
    %add3A_387 = arith.addi %mul3A_2, %add3A_386 : i32
    %dma_start3A_388 = arith.constant 3 : i32
    %dma_start3A_389 = arith.constant 0 : i32
    %dma_start3A_390 = arith.constant 0 : i32
    %dma_start3A_391 = tpu.memref_slice %arg9[%dma_start3A_388, %dma_start3A_389, %dma_start3A_390] : memref<4x96x256xf32, #tpu.memory_space<vmem>> -> memref<1x96x256xf32, #tpu.memory_space<vmem>>
    %dma_start3A_392 = tpu.memref_squeeze %dma_start3A_391 : memref<1x96x256xf32, #tpu.memory_space<vmem>> -> memref<96x256xf32, #tpu.memory_space<vmem>>
    %dma_start3A_393 = arith.constant 0 : i32
    %dma_start3A_394 = tpu.memref_slice %arg5[%add3A_387, %dma_start3A_393] : memref<16384x256xf32, #tpu.memory_space<hbm>> -> memref<96x256xf32, #tpu.memory_space<hbm>>
    %dma_start3A_395 = arith.constant 0 : i32
    %dma_start3A_396 = tpu.memref_slice %arg5[%add3A_387, %dma_start3A_395] : memref<16384x256xf32, #tpu.memory_space<hbm>> -> memref<96x256xf32, #tpu.memory_space<hbm>>
    %dma_start3A_397 = arith.constant 0 : i32
    %dma_start3A_398 = arith.constant 0 : i32
    %dma_start3A_399 = tpu.memref_slice %arg9[%dma_start3A_388, %dma_start3A_397, %dma_start3A_398] : memref<4x96x256xf32, #tpu.memory_space<vmem>> -> memref<1x96x256xf32, #tpu.memory_space<vmem>>
    %dma_start3A_400 = tpu.memref_squeeze %dma_start3A_399 : memref<1x96x256xf32, #tpu.memory_space<vmem>> -> memref<96x256xf32, #tpu.memory_space<vmem>>
    tpu.enqueue_dma source(%dma_start3A_400 : memref<96x256xf32, #tpu.memory_space<vmem>>) target(%dma_start3A_396 : memref<96x256xf32, #tpu.memory_space<hbm>>) target_semaphore(%arg19 : memref<!tpu.dma_semaphore, #tpu.memory_space<semaphore_mem>>)
    %dma_wait3A_401 = arith.constant 0 : i32
    %dma_wait3A_402 = arith.constant 0 : i32
    %dma_wait3A_403 = arith.constant 0 : i32
    %dma_wait3A_404 = tpu.memref_slice %arg9[%dma_wait3A_401, %dma_wait3A_402, %dma_wait3A_403] : memref<4x96x256xf32, #tpu.memory_space<vmem>> -> memref<1x96x256xf32, #tpu.memory_space<vmem>>
    %dma_wait3A_405 = tpu.memref_squeeze %dma_wait3A_404 : memref<1x96x256xf32, #tpu.memory_space<vmem>> -> memref<96x256xf32, #tpu.memory_space<vmem>>
    %dma_wait3A_406 = arith.constant 320 : i32
    %dma_wait3A_407 = tpu.memref_slice %arg8[%dma_wait3A_406] : memref<512xi32, #tpu.memory_space<vmem>> -> memref<96xi32, #tpu.memory_space<vmem>>
    %dma_wait3A_408 = arith.constant 0 : i32
    %dma_wait3A_409 = arith.constant 0 : i32
    %dma_wait3A_410 = tpu.memref_slice %arg4[%dma_wait3A_408, %dma_wait3A_409] : memref<510000x256xf32, #tpu.memory_space<hbm>> -> memref<510000x256xf32, #tpu.memory_space<hbm>>
    tpu.wait_indirect_dma semaphore(%arg12 : memref<!tpu.dma_semaphore, #tpu.memory_space<semaphore_mem>>) src(%dma_wait3A_410 : memref<510000x256xf32, #tpu.memory_space<hbm>>) dst(%dma_wait3A_405 : memref<96x256xf32, #tpu.memory_space<vmem>>)
    %add3A_411 = arith.constant 320 : i32
    %add3A_412 = arith.addi %mul3A_2, %add3A_411 : i32
    %dma_start3A_413 = arith.constant 0 : i32
    %dma_start3A_414 = arith.constant 0 : i32
    %dma_start3A_415 = arith.constant 0 : i32
    %dma_start3A_416 = tpu.memref_slice %arg9[%dma_start3A_413, %dma_start3A_414, %dma_start3A_415] : memref<4x96x256xf32, #tpu.memory_space<vmem>> -> memref<1x96x256xf32, #tpu.memory_space<vmem>>
    %dma_start3A_417 = tpu.memref_squeeze %dma_start3A_416 : memref<1x96x256xf32, #tpu.memory_space<vmem>> -> memref<96x256xf32, #tpu.memory_space<vmem>>
    %dma_start3A_418 = arith.constant 0 : i32
    %dma_start3A_419 = tpu.memref_slice %arg5[%add3A_412, %dma_start3A_418] : memref<16384x256xf32, #tpu.memory_space<hbm>> -> memref<96x256xf32, #tpu.memory_space<hbm>>
    %dma_start3A_420 = arith.constant 0 : i32
    %dma_start3A_421 = tpu.memref_slice %arg5[%add3A_412, %dma_start3A_420] : memref<16384x256xf32, #tpu.memory_space<hbm>> -> memref<96x256xf32, #tpu.memory_space<hbm>>
    %dma_start3A_422 = arith.constant 0 : i32
    %dma_start3A_423 = arith.constant 0 : i32
    %dma_start3A_424 = tpu.memref_slice %arg9[%dma_start3A_413, %dma_start3A_422, %dma_start3A_423] : memref<4x96x256xf32, #tpu.memory_space<vmem>> -> memref<1x96x256xf32, #tpu.memory_space<vmem>>
    %dma_start3A_425 = tpu.memref_squeeze %dma_start3A_424 : memref<1x96x256xf32, #tpu.memory_space<vmem>> -> memref<96x256xf32, #tpu.memory_space<vmem>>
    tpu.enqueue_dma source(%dma_start3A_425 : memref<96x256xf32, #tpu.memory_space<vmem>>) target(%dma_start3A_421 : memref<96x256xf32, #tpu.memory_space<hbm>>) target_semaphore(%arg16 : memref<!tpu.dma_semaphore, #tpu.memory_space<semaphore_mem>>)
    %dma_wait3A_426 = arith.constant 1 : i32
    %dma_wait3A_427 = arith.constant 0 : i32
    %dma_wait3A_428 = arith.constant 0 : i32
    %dma_wait3A_429 = tpu.memref_slice %arg9[%dma_wait3A_426, %dma_wait3A_427, %dma_wait3A_428] : memref<4x96x256xf32, #tpu.memory_space<vmem>> -> memref<1x64x256xf32, #tpu.memory_space<vmem>>
    %dma_wait3A_430 = tpu.memref_squeeze %dma_wait3A_429 : memref<1x64x256xf32, #tpu.memory_space<vmem>> -> memref<64x256xf32, #tpu.memory_space<vmem>>
    %dma_wait3A_431 = arith.constant 416 : i32
    %dma_wait3A_432 = tpu.memref_slice %arg8[%dma_wait3A_431] : memref<512xi32, #tpu.memory_space<vmem>> -> memref<64xi32, #tpu.memory_space<vmem>>
    %dma_wait3A_433 = arith.constant 0 : i32
    %dma_wait3A_434 = arith.constant 0 : i32
    %dma_wait3A_435 = tpu.memref_slice %arg4[%dma_wait3A_433, %dma_wait3A_434] : memref<510000x256xf32, #tpu.memory_space<hbm>> -> memref<510000x256xf32, #tpu.memory_space<hbm>>
    tpu.wait_indirect_dma semaphore(%arg13 : memref<!tpu.dma_semaphore, #tpu.memory_space<semaphore_mem>>) src(%dma_wait3A_435 : memref<510000x256xf32, #tpu.memory_space<hbm>>) dst(%dma_wait3A_430 : memref<64x256xf32, #tpu.memory_space<vmem>>)
    %add3A_436 = arith.constant 416 : i32
    %add3A_437 = arith.addi %mul3A_2, %add3A_436 : i32
    %dma_start3A_438 = arith.constant 1 : i32
    %dma_start3A_439 = arith.constant 0 : i32
    %dma_start3A_440 = arith.constant 0 : i32
    %dma_start3A_441 = tpu.memref_slice %arg9[%dma_start3A_438, %dma_start3A_439, %dma_start3A_440] : memref<4x96x256xf32, #tpu.memory_space<vmem>> -> memref<1x64x256xf32, #tpu.memory_space<vmem>>
    %dma_start3A_442 = tpu.memref_squeeze %dma_start3A_441 : memref<1x64x256xf32, #tpu.memory_space<vmem>> -> memref<64x256xf32, #tpu.memory_space<vmem>>
    %dma_start3A_443 = arith.constant 0 : i32
    %dma_start3A_444 = tpu.memref_slice %arg5[%add3A_437, %dma_start3A_443] : memref<16384x256xf32, #tpu.memory_space<hbm>> -> memref<64x256xf32, #tpu.memory_space<hbm>>
    %dma_start3A_445 = arith.constant 0 : i32
    %dma_start3A_446 = tpu.memref_slice %arg5[%add3A_437, %dma_start3A_445] : memref<16384x256xf32, #tpu.memory_space<hbm>> -> memref<64x256xf32, #tpu.memory_space<hbm>>
    %dma_start3A_447 = arith.constant 0 : i32
    %dma_start3A_448 = arith.constant 0 : i32
    %dma_start3A_449 = tpu.memref_slice %arg9[%dma_start3A_438, %dma_start3A_447, %dma_start3A_448] : memref<4x96x256xf32, #tpu.memory_space<vmem>> -> memref<1x64x256xf32, #tpu.memory_space<vmem>>
    %dma_start3A_450 = tpu.memref_squeeze %dma_start3A_449 : memref<1x64x256xf32, #tpu.memory_space<vmem>> -> memref<64x256xf32, #tpu.memory_space<vmem>>
    tpu.enqueue_dma source(%dma_start3A_450 : memref<64x256xf32, #tpu.memory_space<vmem>>) target(%dma_start3A_446 : memref<64x256xf32, #tpu.memory_space<hbm>>) target_semaphore(%arg17 : memref<!tpu.dma_semaphore, #tpu.memory_space<semaphore_mem>>)
    %dma_wait3A_451 = arith.constant 2 : i32
    %dma_wait3A_452 = arith.constant 0 : i32
    %dma_wait3A_453 = arith.constant 0 : i32
    %dma_wait3A_454 = tpu.memref_slice %arg9[%dma_wait3A_451, %dma_wait3A_452, %dma_wait3A_453] : memref<4x96x256xf32, #tpu.memory_space<vmem>> -> memref<1x32x256xf32, #tpu.memory_space<vmem>>
    %dma_wait3A_455 = tpu.memref_squeeze %dma_wait3A_454 : memref<1x32x256xf32, #tpu.memory_space<vmem>> -> memref<32x256xf32, #tpu.memory_space<vmem>>
    %dma_wait3A_456 = arith.constant 480 : i32
    %dma_wait3A_457 = tpu.memref_slice %arg8[%dma_wait3A_456] : memref<512xi32, #tpu.memory_space<vmem>> -> memref<32xi32, #tpu.memory_space<vmem>>
    %dma_wait3A_458 = arith.constant 0 : i32
    %dma_wait3A_459 = arith.constant 0 : i32
    %dma_wait3A_460 = tpu.memref_slice %arg4[%dma_wait3A_458, %dma_wait3A_459] : memref<510000x256xf32, #tpu.memory_space<hbm>> -> memref<510000x256xf32, #tpu.memory_space<hbm>>
    tpu.wait_indirect_dma semaphore(%arg14 : memref<!tpu.dma_semaphore, #tpu.memory_space<semaphore_mem>>) src(%dma_wait3A_460 : memref<510000x256xf32, #tpu.memory_space<hbm>>) dst(%dma_wait3A_455 : memref<32x256xf32, #tpu.memory_space<vmem>>)
    %add3A_461 = arith.constant 480 : i32
    %add3A_462 = arith.addi %mul3A_2, %add3A_461 : i32
    %dma_start3A_463 = arith.constant 2 : i32
    %dma_start3A_464 = arith.constant 0 : i32
    %dma_start3A_465 = arith.constant 0 : i32
    %dma_start3A_466 = tpu.memref_slice %arg9[%dma_start3A_463, %dma_start3A_464, %dma_start3A_465] : memref<4x96x256xf32, #tpu.memory_space<vmem>> -> memref<1x32x256xf32, #tpu.memory_space<vmem>>
    %dma_start3A_467 = tpu.memref_squeeze %dma_start3A_466 : memref<1x32x256xf32, #tpu.memory_space<vmem>> -> memref<32x256xf32, #tpu.memory_space<vmem>>
    %dma_start3A_468 = arith.constant 0 : i32
    %dma_start3A_469 = tpu.memref_slice %arg5[%add3A_462, %dma_start3A_468] : memref<16384x256xf32, #tpu.memory_space<hbm>> -> memref<32x256xf32, #tpu.memory_space<hbm>>
    %dma_start3A_470 = arith.constant 0 : i32
    %dma_start3A_471 = tpu.memref_slice %arg5[%add3A_462, %dma_start3A_470] : memref<16384x256xf32, #tpu.memory_space<hbm>> -> memref<32x256xf32, #tpu.memory_space<hbm>>
    %dma_start3A_472 = arith.constant 0 : i32
    %dma_start3A_473 = arith.constant 0 : i32
    %dma_start3A_474 = tpu.memref_slice %arg9[%dma_start3A_463, %dma_start3A_472, %dma_start3A_473] : memref<4x96x256xf32, #tpu.memory_space<vmem>> -> memref<1x32x256xf32, #tpu.memory_space<vmem>>
    %dma_start3A_475 = tpu.memref_squeeze %dma_start3A_474 : memref<1x32x256xf32, #tpu.memory_space<vmem>> -> memref<32x256xf32, #tpu.memory_space<vmem>>
    tpu.enqueue_dma source(%dma_start3A_475 : memref<32x256xf32, #tpu.memory_space<vmem>>) target(%dma_start3A_471 : memref<32x256xf32, #tpu.memory_space<hbm>>) target_semaphore(%arg18 : memref<!tpu.dma_semaphore, #tpu.memory_space<semaphore_mem>>)
    %dma_wait3A_476 = arith.constant 3 : i32
    %dma_wait3A_477 = arith.constant 0 : i32
    %dma_wait3A_478 = arith.constant 0 : i32
    %dma_wait3A_479 = tpu.memref_slice %arg9[%dma_wait3A_476, %dma_wait3A_477, %dma_wait3A_478] : memref<4x96x256xf32, #tpu.memory_space<vmem>> -> memref<1x96x256xf32, #tpu.memory_space<vmem>>
    %dma_wait3A_480 = tpu.memref_squeeze %dma_wait3A_479 : memref<1x96x256xf32, #tpu.memory_space<vmem>> -> memref<96x256xf32, #tpu.memory_space<vmem>>
    %dma_wait3A_481 = arith.constant 0 : i32
    %dma_wait3A_482 = tpu.memref_slice %arg5[%add3A_387, %dma_wait3A_481] : memref<16384x256xf32, #tpu.memory_space<hbm>> -> memref<96x256xf32, #tpu.memory_space<hbm>>
    %dma_wait3A_483 = arith.constant 0 : i32
    %dma_wait3A_484 = tpu.memref_slice %arg5[%add3A_387, %dma_wait3A_483] : memref<16384x256xf32, #tpu.memory_space<hbm>> -> memref<96x256xf32, #tpu.memory_space<hbm>>
    %dma_wait3A_485 = arith.constant 0 : i32
    %dma_wait3A_486 = arith.constant 0 : i32
    %dma_wait3A_487 = tpu.memref_slice %arg9[%dma_wait3A_476, %dma_wait3A_485, %dma_wait3A_486] : memref<4x96x256xf32, #tpu.memory_space<vmem>> -> memref<1x96x256xf32, #tpu.memory_space<vmem>>
    %dma_wait3A_488 = tpu.memref_squeeze %dma_wait3A_487 : memref<1x96x256xf32, #tpu.memory_space<vmem>> -> memref<96x256xf32, #tpu.memory_space<vmem>>
    tpu.wait_dma2 semaphore(%arg19 : memref<!tpu.dma_semaphore, #tpu.memory_space<semaphore_mem>>) src(%dma_wait3A_488 : memref<96x256xf32, #tpu.memory_space<vmem>>) dst(%dma_wait3A_484 : memref<96x256xf32, #tpu.memory_space<hbm>>)
    %dma_wait3A_489 = arith.constant 0 : i32
    %dma_wait3A_490 = arith.constant 0 : i32
    %dma_wait3A_491 = arith.constant 0 : i32
    %dma_wait3A_492 = tpu.memref_slice %arg9[%dma_wait3A_489, %dma_wait3A_490, %dma_wait3A_491] : memref<4x96x256xf32, #tpu.memory_space<vmem>> -> memref<1x96x256xf32, #tpu.memory_space<vmem>>
    %dma_wait3A_493 = tpu.memref_squeeze %dma_wait3A_492 : memref<1x96x256xf32, #tpu.memory_space<vmem>> -> memref<96x256xf32, #tpu.memory_space<vmem>>
    %dma_wait3A_494 = arith.constant 0 : i32
    %dma_wait3A_495 = tpu.memref_slice %arg5[%add3A_412, %dma_wait3A_494] : memref<16384x256xf32, #tpu.memory_space<hbm>> -> memref<96x256xf32, #tpu.memory_space<hbm>>
    %dma_wait3A_496 = arith.constant 0 : i32
    %dma_wait3A_497 = tpu.memref_slice %arg5[%add3A_412, %dma_wait3A_496] : memref<16384x256xf32, #tpu.memory_space<hbm>> -> memref<96x256xf32, #tpu.memory_space<hbm>>
    %dma_wait3A_498 = arith.constant 0 : i32
    %dma_wait3A_499 = arith.constant 0 : i32
    %dma_wait3A_500 = tpu.memref_slice %arg9[%dma_wait3A_489, %dma_wait3A_498, %dma_wait3A_499] : memref<4x96x256xf32, #tpu.memory_space<vmem>> -> memref<1x96x256xf32, #tpu.memory_space<vmem>>
    %dma_wait3A_501 = tpu.memref_squeeze %dma_wait3A_500 : memref<1x96x256xf32, #tpu.memory_space<vmem>> -> memref<96x256xf32, #tpu.memory_space<vmem>>
    tpu.wait_dma2 semaphore(%arg16 : memref<!tpu.dma_semaphore, #tpu.memory_space<semaphore_mem>>) src(%dma_wait3A_501 : memref<96x256xf32, #tpu.memory_space<vmem>>) dst(%dma_wait3A_497 : memref<96x256xf32, #tpu.memory_space<hbm>>)
    %dma_wait3A_502 = arith.constant 1 : i32
    %dma_wait3A_503 = arith.constant 0 : i32
    %dma_wait3A_504 = arith.constant 0 : i32
    %dma_wait3A_505 = tpu.memref_slice %arg9[%dma_wait3A_502, %dma_wait3A_503, %dma_wait3A_504] : memref<4x96x256xf32, #tpu.memory_space<vmem>> -> memref<1x64x256xf32, #tpu.memory_space<vmem>>
    %dma_wait3A_506 = tpu.memref_squeeze %dma_wait3A_505 : memref<1x64x256xf32, #tpu.memory_space<vmem>> -> memref<64x256xf32, #tpu.memory_space<vmem>>
    %dma_wait3A_507 = arith.constant 0 : i32
    %dma_wait3A_508 = tpu.memref_slice %arg5[%add3A_437, %dma_wait3A_507] : memref<16384x256xf32, #tpu.memory_space<hbm>> -> memref<64x256xf32, #tpu.memory_space<hbm>>
    %dma_wait3A_509 = arith.constant 0 : i32
    %dma_wait3A_510 = tpu.memref_slice %arg5[%add3A_437, %dma_wait3A_509] : memref<16384x256xf32, #tpu.memory_space<hbm>> -> memref<64x256xf32, #tpu.memory_space<hbm>>
    %dma_wait3A_511 = arith.constant 0 : i32
    %dma_wait3A_512 = arith.constant 0 : i32
    %dma_wait3A_513 = tpu.memref_slice %arg9[%dma_wait3A_502, %dma_wait3A_511, %dma_wait3A_512] : memref<4x96x256xf32, #tpu.memory_space<vmem>> -> memref<1x64x256xf32, #tpu.memory_space<vmem>>
    %dma_wait3A_514 = tpu.memref_squeeze %dma_wait3A_513 : memref<1x64x256xf32, #tpu.memory_space<vmem>> -> memref<64x256xf32, #tpu.memory_space<vmem>>
    tpu.wait_dma2 semaphore(%arg17 : memref<!tpu.dma_semaphore, #tpu.memory_space<semaphore_mem>>) src(%dma_wait3A_514 : memref<64x256xf32, #tpu.memory_space<vmem>>) dst(%dma_wait3A_510 : memref<64x256xf32, #tpu.memory_space<hbm>>)
    %dma_wait3A_515 = arith.constant 2 : i32
    %dma_wait3A_516 = arith.constant 0 : i32
    %dma_wait3A_517 = arith.constant 0 : i32
    %dma_wait3A_518 = tpu.memref_slice %arg9[%dma_wait3A_515, %dma_wait3A_516, %dma_wait3A_517] : memref<4x96x256xf32, #tpu.memory_space<vmem>> -> memref<1x32x256xf32, #tpu.memory_space<vmem>>
    %dma_wait3A_519 = tpu.memref_squeeze %dma_wait3A_518 : memref<1x32x256xf32, #tpu.memory_space<vmem>> -> memref<32x256xf32, #tpu.memory_space<vmem>>
    %dma_wait3A_520 = arith.constant 0 : i32
    %dma_wait3A_521 = tpu.memref_slice %arg5[%add3A_462, %dma_wait3A_520] : memref<16384x256xf32, #tpu.memory_space<hbm>> -> memref<32x256xf32, #tpu.memory_space<hbm>>
    %dma_wait3A_522 = arith.constant 0 : i32
    %dma_wait3A_523 = tpu.memref_slice %arg5[%add3A_462, %dma_wait3A_522] : memref<16384x256xf32, #tpu.memory_space<hbm>> -> memref<32x256xf32, #tpu.memory_space<hbm>>
    %dma_wait3A_524 = arith.constant 0 : i32
    %dma_wait3A_525 = arith.constant 0 : i32
    %dma_wait3A_526 = tpu.memref_slice %arg9[%dma_wait3A_515, %dma_wait3A_524, %dma_wait3A_525] : memref<4x96x256xf32, #tpu.memory_space<vmem>> -> memref<1x32x256xf32, #tpu.memory_space<vmem>>
    %dma_wait3A_527 = tpu.memref_squeeze %dma_wait3A_526 : memref<1x32x256xf32, #tpu.memory_space<vmem>> -> memref<32x256xf32, #tpu.memory_space<vmem>>
    tpu.wait_dma2 semaphore(%arg18 : memref<!tpu.dma_semaphore, #tpu.memory_space<semaphore_mem>>) src(%dma_wait3A_527 : memref<32x256xf32, #tpu.memory_space<vmem>>) dst(%dma_wait3A_523 : memref<32x256xf32, #tpu.memory_space<hbm>>)
    return
  }
}

</mosaic_0001>

<sc_bundles>
// kernel: _lookup.3.cloned.1.call-start
scs
__scs_entry_jumppad:
0x0: {  	(pc) =	sbr.rel $0x88, $3  }
0x1: {  	(tag) =	ssettag $0x0;
	lr =	simm.s32 $0x1  }
0x2: {  	[smem:$0x3F9E] =	sst lr;
	_ =	strace $0xD0000000  }
0x3: {  	_ = 	snop  }
0x4: {  	_ = 	snop  }
0x5: {  	_ = 	snop  }
0x6: {  	_ = 	snop  }
0x7: {  	_ = 	snop  }
__scs_overlays_trampoline_lowered:
0x8: {  	[smem:$0x3FAD] =	sst s0  }
0x9: {  	[smem:$0x3FAE] =	sst s1  }
0xa: {  	[smem:$0x3FAF] =	sst s2  }
0xb: {  	[smem:$0x3FB0] =	sst s3  }
0xc: {  	[smem:$0x3FB1] =	sst s4  }
0xd: {  	[smem:$0x3FB2] =	sst s5  }
0xe: {  	[smem:$0x3FB3] =	sst s6  }
0xf: {  	[smem:$0x3FB4] =	sst s7  }
0x10: {  	[smem:$0x3FB5] =	sst s8  }
0x11: {  	[smem:$0x3FB6] =	sst s9;
	s0 =	simm.s32 @!p0 $0x0  }
0x12: {  	s1 =	sld [smem:$0x3F9C];
	s0 =	simm.s32 @p0 $0x1  }
0x13: {  	[smem:$0x3FB7] =	sst s0;
	s0 =	simm.s32 @!p1 $0x0  }
0x14: {  	s2 =	sld [smem:$0x3F9B];
	s0 =	simm.s32 @p1 $0x1  }
0x15: {  	[smem:$0x3FB8] =	sst s0;
	s0 =	simm.s32 @!p2 $0x0  }
0x16: {  	s3 =	sld [smem:$0x3FDB];
	s0 =	simm.s32 @p2 $0x1  }
0x17: {  	s4 =	simm.s32 $0x1BF5;
	[smem:$0x3FBA] =	sst s0  }
0x18: {  	s0 =	sld [smem:$0x3F9D];
	_ =	swait.ge [sflag:s4], $0x0  }
0x19: {  	s7 =	sld [smem:$0x3F9E]  }
0x1a: {  	s8 =	sadd.s32 $0xFFFFE003, lr  }
0x1b: {  	s9 =	sadd.s32 $0xFFFFFEF7, lr;
	s5 =	simm.s32 $0xFFFFFFFF;
	p2 =	slt.u32 s8, $0xFFFFF086  }
0x1c: {  	p1 =	slt.u32 s9, $0xF7A;
	s5 =	simm.s32 @!p2 $0x0  }
0x1d: {  	s5 =	simm.s32 @p1 $0x1;
	p0 =	seq.s32 s7, s2  }
0x1e: {  	s7 =	smul.u32 @!p0 $0xF7A, s2;
	p2 =	seq.s32 @!p0 s5, $0x0  }
0x1f: {  	s9 =	smul.u32 $0xF7A, s1;
	s8 =	simm.s32 @!p0 $0x1BF5;
	p2 =	por !p2, p0  }
0x20: {  	[sflag:s8] =	ssyncset.s32 @!p0 $0xFFFFF086;
	s6 =	sadd.s32 @!p0 s3, s7;
	s7 =	simm.s32 @!p0 $0x108  }
0x21: {  	s3 =	sadd.s32 s3, s9;
	s6 =	sadd.s32 @!p0 $0x88, s6;
	s7 =	simm.s32 @p2 $0x1082  }
0x22: {  	[simem:s7], [sflag:s8] =	dma.local @!p0 [hbm:s6], $0xF7A  }
0x23: {  	s9 =	sor.u32 $0xD0000000, s2;
	s6 =	simm.s32 $0x108;
	_ =	swait.ge @!p0 [sflag:s8], $0x0  }
0x24: {  	s3 =	sadd.s32 $0x88, s3;
	s6 =	simm.s32 @!p1 $0x1082;
	[sflag:s4] =	ssyncset.s32 $0xFFFFF086  }
0x25: {  	[simem:s6], [sflag:s4] =	dma.local [hbm:s3], $0xF7A  }
0x26: {  	[smem:$0x3F9E] =	sst s1;
	(tag) =	ssettag s2;
	_ =	strace s9  }
0x27: {  	s1 =	sld [smem:$0x3FAE]  }
0x28: {  	s2 =	sld [smem:$0x3FAF]  }
0x29: {  	s4 =	sld [smem:$0x3FB1]  }
0x2a: {  	p0 =	seq.s32 s5, $0x0;
	s5 =	sld [smem:$0x3FB2]  }
0x2b: {  	s6 =	sld [smem:$0x3FB3]  }
0x2c: {  	s7 =	sld [smem:$0x3FB4]  }
0x2d: {  	s3 =	simm.s32 $0x108;
	s8 =	sld [smem:$0x3FB5]  }
0x2e: {  	s3 =	simm.s32 @!p0 $0x1082;
	s9 =	sld [smem:$0x3FB6]  }
0x2f: {  	lr =	sadd.s32 s0, s3;
	s0 =	sld [smem:$0x3FAD]  }
0x30: {  	s3 =	sld [smem:$0x3FB0]  }
0x31: {  	[smem:$0x3FB9] =	sst s10  }
0x32: {  	s10 =	sld [smem:$0x3FB7];
	_ =	sdelay $0x3  }
0x33: {  	p0 =	seq.s32 s10, $0x1;
	s10 =	sld [smem:$0x3FB9];
	_ =	sdelay $0x3  }
0x34: {  	[smem:$0x3FB9] =	sst s10  }
0x35: {  	s10 =	sld [smem:$0x3FB8];
	_ =	sdelay $0x3  }
0x36: {  	p1 =	seq.s32 s10, $0x1;
	s10 =	sld [smem:$0x3FB9];
	_ =	sdelay $0x3  }
0x37: {  	[smem:$0x3FB9] =	sst s10  }
0x38: {  	s10 =	sld [smem:$0x3FBA]  }
0x39: {  	_ = 	snop;
	(pc) =	sbr.ind lr, $3  }
0x3a: {  	_ = 	snop  }
0x3b: {  	_ = 	snop  }
0x3c: {  	p2 =	seq.s32 s10, $0x1;
	s10 =	sld [smem:$0x3FB9]  }
0x3d: {  	_ =	shalt  }
0x3e: {  	_ =	shalt  }
0x3f: {  	_ =	shalt  }
0x40: {  	_ =	shalt  }
0x41: {  	_ =	shalt  }
0x42: {  	_ =	shalt  }
0x43: {  	_ =	shalt  }
0x44: {  	_ =	shalt  }
0x45: {  	_ =	shalt  }
0x46: {  	_ =	shalt  }
0x47: {  	_ =	shalt  }
0x48: {  	_ =	shalt  }
0x49: {  	_ =	shalt  }
0x4a: {  	_ =	shalt  }
0x4b: {  	_ =	shalt  }
0x4c: {  	_ =	shalt  }
0x4d: {  	_ =	shalt  }
0x4e: {  	_ =	shalt  }
0x4f: {  	_ =	shalt  }
0x50: {  	_ =	shalt  }
0x51: {  	_ =	shalt  }
0x52: {  	_ =	shalt  }
0x53: {  	_ =	shalt  }
0x54: {  	_ =	shalt  }
0x55: {  	_ =	shalt  }
0x56: {  	_ =	shalt  }
0x57: {  	_ =	shalt  }
0x58: {  	_ =	shalt  }
0x59: {  	_ =	shalt  }
0x5a: {  	_ =	shalt  }
0x5b: {  	_ =	shalt  }
0x5c: {  	_ =	shalt  }
0x5d: {  	_ =	shalt  }
0x5e: {  	_ =	shalt  }
0x5f: {  	_ =	shalt  }
0x60: {  	_ =	shalt  }
0x61: {  	_ =	shalt  }
0x62: {  	_ =	shalt  }
0x63: {  	_ =	shalt  }
0x64: {  	_ =	shalt  }
0x65: {  	_ =	shalt  }
0x66: {  	_ =	shalt  }
0x67: {  	_ =	shalt  }
0x68: {  	_ =	shalt  }
0x69: {  	_ =	shalt  }
0x6a: {  	_ =	shalt  }
0x6b: {  	_ =	shalt  }
0x6c: {  	_ =	shalt  }
0x6d: {  	_ =	shalt  }
0x6e: {  	_ =	shalt  }
0x6f: {  	_ =	shalt  }
0x70: {  	_ =	shalt  }
0x71: {  	_ =	shalt  }
0x72: {  	_ =	shalt  }
0x73: {  	_ =	shalt  }
0x74: {  	_ =	shalt  }
0x75: {  	_ =	shalt  }
0x76: {  	_ =	shalt  }
0x77: {  	_ =	shalt  }
0x78: {  	_ =	shalt  }
0x79: {  	_ =	shalt  }
0x7a: {  	_ =	shalt  }
0x7b: {  	_ =	shalt  }
0x7c: {  	_ =	shalt  }
0x7d: {  	_ =	shalt  }
0x7e: {  	_ =	shalt  }
0x7f: {  	_ =	shalt  }
0x80: {  	_ =	shalt  }
0x81: {  	_ =	shalt  }
0x82: {  	_ =	shalt  }
0x83: {  	_ =	shalt  }
0x84: {  	_ =	shalt  }
0x85: {  	_ =	shalt  }
0x86: {  	_ =	shalt  }
0x87: {  	_ =	shalt  }
.Lfunc_end0:
.L_simem_size_0:
called_computation_lowered:
.L_overlay_start_0:
0x88: {  	s2 =	sld [smem:$0x3FD9]  }
0x89: {  	s3 =	sld [smem:$0x3FFE];
	_ =	sdelay $0x1  }
0x8a: {  	s1 =	srdreg.scid  }
0x8b: {  	s0 =	sand.u32 $0x1, s1  }
0x8c: {  	s18 =	sshll.u32 s0, $0xA;
	s2 =	sadd.s32 s3, s2  }
0x8d: {  	s2 =	sadd.s32 s2, s18  }
0x8e: {  	[smem:$0x3FC5] =	sst s2  }
0x8f: {  	_ = 	snop  }
0x90: {  	s2 =	sld [smem:$0x3FC9]  }
0x91: {  	s19 =	sld [smem:$0x3FC8]  }
0x92: {  	s4 =	sld [smem:$0x3FC7]  }
0x93: {  	s5 =	sld [smem:$0x3FD0];
	(tm) =	ssettm $0x1  }
0x94: {  	s6 =	sld [smem:$0x3FFB];
	_ =	sdelay $0x3  }
0x95: {  	_ =	strace s6  }
0x96: {  	s6 =	sld [smem:$0x3FFC];
	_ =	sdelay $0x3  }
0x97: {  	_ =	strace s6  }
0x98: {  	s6 =	sld [smem:$0x3FFD];
	_ =	sdelay $0x3  }
0x99: {  	_ =	strace s6  }
0x9a: {  	_ =	strace $0x8FFFFFFF  }
0x9b: {  	s20 =	sld [smem:$0x3FDB];
	_ =	sdelay $0x1  }
0x9c: {  	s7 =	simm.s32 $_scs_section_size  }
0x9d: {  	s8 =	simm.s32 $_size__tile_overlayer_lowered;
	s9 =	simm.s32 $_tile_overlayer_lowered  }
0x9e: {  	s23 =	simm.s32 $0x1BFF;
	s22 =	sshll.u32 s9, $0x1;
	s6 =	sadd.s32 s7, s20  }
0x9f: {  	s10 =	simm.s32 $0x0;
	s21 =	sshll.u32 s8, $0x1;
	s8 =	sadd.s32 s22, s6  }
0xa0: {  	[timem:s10], [sflag:s23] =	dma.local [hbm:s8], s21  }
0xa1: {  	_ =	swait.ge [sflag:s23], s21  }
0xa2: {  	s7 =	ssub.s32 $0x0, s21;
	[sflag:s23] =	ssyncset.done $0x0  }
0xa3: {  	[sflag:s23] =	ssyncadd.s32 s7;
	_ =	sdelay $0x1  }
0xa4: {  	s24 =	simm.s32 $0x1B8B  }
0xa5: {  	_ =	swait.ge [sflag:s24], $0x1  }
0xa6: {  	[sflag:s24] =	ssyncset.done $0x0  }
0xa7: {  	s25 =	simm.s32 $0x1B8E;
	[sflag:s24] =	ssyncadd.s32 $0xFFFFFFFF  }
0xa8: {  	s26 =	simm.s32 $execute0_lowered;
	[smem:$0x3FD2] =	sst s25  }
0xa9: {  	s7 =	sshll.u32 s26, $0x1;
	_ =	strace $0x80000046;
	[dreg:$0x1] =	wrdreg $0xFFFFFFFF  }
0xaa: {  	s28 =	simm.s32 $_size_execute0_lowered;
	s6 =	sadd.s32 s6, s7;
	[dreg:$0x0] =	wrdreg $0x0  }
0xab: {  	s7 =	sshll.u32 s28, $0x1;
	[dreg:$0x2] =	wrdreg s6  }
0xac: {  	[dreg:$0x3] =	wrdreg s7  }
0xad: {  	[dreg:$0x4] =	wrdreg $0xC0  }
0xae: {  	_ =	task [dreg:s10], $0x5FFFF  }
0xaf: {  	[dreg:$0x1] =	wrdreg $0xFFFFFFFF  }
0xb0: {  	[dreg:$0x0] =	wrdreg $0x60  }
0xb1: {  	[dreg:$0x2] =	wrdreg s2  }
0xb2: {  	[dreg:$0x3] =	wrdreg s19  }
0xb3: {  	[dreg:$0x4] =	wrdreg s4  }
0xb4: {  	[dreg:$0x5] =	wrdreg s5  }
0xb5: {  	[dreg:$0x6] =	wrdreg $0x9  }
0xb6: {  	_ =	task.clear_ibuf [dreg:s10], $0x7FFFF;
	_ =	strace $0x90000046  }
0xb7: {  	s29 =	simm.s32 $0x9;
	_ =	strace $0x80000048  }
0xb8: {  	_ =	swait.ge [sflag:s29], $0x1  }
0xb9: {  	[sflag:s29] =	ssyncadd.s32 $0xFFFFFFFF  }
0xba: {  	_ =	strace $0x90000048  }
0xbb: {  	_ =	sfence  }
0xbc: {  	s30 =	sld [smem:$0x0];
	_ =	sdelay $0x2  }
0xbd: {  	s31 =	sshll.u32 s1, $0xD;
	s1 =	sshrl.u32 s1, $0x2  }
0xbe: {  	s3 =	sand.u32 $0x4000, s31;
	s1 =	sadd.s32 s1, s30  }
0xbf: {  	s0 =	sor.u32 s3, s0;
	s1 =	sshll.u32 s1, $0x11  }
0xc0: {  	s0 =	sor.u32 s1, s0  }
0xc1: {  	s0 =	sadd.s32 $0x8F2B, s0  }
0xc2: {  	[sflag:s0] =	ssyncadd.remote.s32 $0x1  }
0xc3: {  	_ =	sfence.sel $0xFFFF  }
0xc4: {  	[dreg:$0x0] =	wrdreg $0xFFFFFFFF;
	(pc) =	sbr.abs _section_cstart, $3  }
0xc5: {  	[dreg:$0x1] =	wrdreg $0xFFFFFFFF  }
0xc6: {  	_ =	task.clear_ibuf [dreg:s10], $0x2FFFF;
	_ =	strace $0x9FFFFFFF  }
0xc7: {  	(tm) =	ssettm $0x7FFFFFFF  }
tec
execute0_lowered:
.L_overlay_start_1:
0x0: {  	(tag) =	ssettag $0x1  }
0x1: {  	s0 =	rddreg [dreg:$0x0]  }
0x2: {  	s1 =	rddreg [dreg:$0x1]  }
0x3: {  	s2 =	rddreg [dreg:$0x2]  }
0x4: {  	s4 =	rddreg [dreg:$0x3]  }
0x5: {  	s3 =	srdreg.scid;
	s6 =	stileid.u32;
	s15 =	simm.s32 $0x1  }
0x6: {  	s16 =	simm.s32 $0x2;
	s17 =	simm.s32 $0x600;
	s13 =	simm.s32 $0xE00  }
0x7: {  	s28 =	simm.s32 $0x9600;
	s29 =	simm.s32 $0x9E00;
	s14 =	simm.s32 $0xC600  }
0x8: {  	s30 =	simm.s32 $0xCE00;
	s31 =	simm.s32 $0xD600;
	s9 =	simm.s32 $0x9  }
0x9: {  	s10 =	simm.s32 $0xA;
	s5 =	sand.u32 $0x1, s3;
	s3 =	simm.s32 $0x0  }
0xa: {  	s6 =	sshll.u32 s6, $0xA;
	s7 =	sshll.u32 s5, $0x9;
	[smem:$0x7FF] =	sst s3  }
0xb: {  	s5 =	ssub.s32 $0x2, s5;
	s6 =	sor.u32 s7, s6;
	_ =	strace $0x80000047  }
0xc: {  	s18 =	sshrl.u32 s5, $0x1;
	s8 =	sshll.u32 s6, $0x5;
	s6 =	sshrl.u32 s6, $0x3  }
0xd: {  	s7 =	simm.s32 $0x4;
	s5 =	ssub.s32 s5, s18;
	s0 =	sadd.s32 s0, s6  }
0xe: {  	s18 =	simm.s32 $0x5;
	s19 =	sadd.s32 s1, s6;
	[dreg:$0x5] =	wrdreg s0  }
0xf: {  	s4 =	sadd.s32 s4, s8;
	s26 =	smax.u32 s5, $0x1;
	[dreg:$0x6] =	wrdreg s19  }
0x10: {  	s1 =	simm.s32 $0x12600;
	s20 =	sadd.s32 $0x400, s4;
	[dreg:$0xd] =	wrdreg s26  }
0x11: {  	s5 =	simm.s32 $0x3;
	s21 =	sadd.s32 $0x1000, s4;
	[dreg:$0x7] =	wrdreg s20  }
0x12: {  	s6 =	simm.s32 $0x7;
	s22 =	sadd.s32 $0x1C00, s4;
	[dreg:$0x8] =	wrdreg s21  }
0x13: {  	s8 =	simm.s32 $0x8;
	s23 =	sadd.s32 $0x2800, s4;
	[dreg:$0x9] =	wrdreg s22  }
0x14: {  	s24 =	sadd.s32 $0x3400, s4;
	s25 =	sadd.s32 $0x3C00, s4;
	[dreg:$0xa] =	wrdreg s23  }
0x15: {  	v2 =	vlaneseq.u32;
	s26 =	simm.s32 $0x8E00;
	s0 =	simm.s32 $0xDE00;
	[dreg:$0xb] =	wrdreg s24  }
0x16: {  	vm0 =	vmmov $0xffff;
	v1 =	vshrl.u32 v2, $0x3;
	s19 =	simm.s32 $0x6;
	[dreg:$0xc] =	wrdreg s25;
	s22 =	simm.s32 $0x1600  }
0x17: {  	v0 =	vand.u32 $0x7, v2;
	v2 =	vor.u32 $0x8, v2;
	v1 =	vmul.u32 $0x8, v1;
	s21 =	simm.s32 $0x6600;
	s25 =	simm.s32 $0x8600;
	s20 =	simm.s32 $0x0  }
.LBB2_1:
0x18: {  	s11 =	rddreg [dreg:$0x5]  }
0x19: {  	[tilespmem:s3], [sflag:$0x1] =	stream.linear.gather [hbm4b:s11+s3], $0x200, $0x38;
	[tilespmem:$0x18600] =	vst v63  }
0x1a: {  	s12 =	simm.s32 $0x200;
	s11 =	rddreg [dreg:$0x6]  }
0x1b: {  	[tilespmem:s12], [sflag:$0x2] =	stream.linear.gather [hbm4b:s11+s3], $0x200, $0x38;
	[tilespmem:$0x18600] =	vst v63  }
0x1c: {  	_ =	swait.ge [sflag:s15], $0x200  }
0x1d: {  	[sflag:s15] =	ssyncset.done $0x0  }
0x1e: {  	[sflag:s15] =	ssyncadd.s32 $0xFFFFFE00  }
0x1f: {  	_ =	swait.ge [sflag:s16], $0x200  }
0x20: {  	[sflag:s16] =	ssyncset.done $0x0  }
0x21: {  	[sflag:s16] =	ssyncadd.s32 $0xFFFFFE00  }
0x22: {  	v3 =	vld [tilespmem:$0x200];
	_ =	sdelay $0x4  }
0x23: {  	v4 =	vld [tilespmem:$0x0];
	vm1 =	vgt.s32 v3, $0x1  }
0x24: {  	v3 =	vnsel vm1, $0x1, v3  }
0x25: {  	v3 =	vmin.u32 v3, $0x1FE  }
0x26: {  	v3 =	vmul.u32 $0x3E8, v3  }
0x27: {  	v5 =	vld [tilespmem:$0x210]  }
0x28: {  	v3 =	vadd.s32 v3, v4  }
0x29: {  	v3 =	vadd.s32 $0xFFFFFC18, v3  }
0x2a: {  	v6 =	vshll.u32 v3, $0x1  }
0x2b: {  	v4 =	vand.u32 $0x7, v4;
	v6 =	vand.u32 $0xFFFFFFF0, v6  }
0x2c: {  	v7 =	vld [tilespmem:$0x10];
	vm1 =	vgt.s32 v5, $0x1;
	v4 =	vor.u32 v4, v6  }
0x2d: {  	v5 =	vnsel vm1, $0x1, v5;
	v6 =	vperm.xlane v4, v0  }
0x2e: {  	v5 =	vmin.u32 v5, $0x1FE  }
0x2f: {  	v5 =	vmul.u32 $0x3E8, v5;
	v4 =	vperm.xlane v4, v2;
	v6 =	vadd.s32 v1, v6;
	_ =	sdelay $0x1  }
0x30: {  	v5 =	vadd.s32 v5, v7;
	v4 =	vadd.s32 v1, v4  }
0x31: {  	[tilespmem:$0x400] =	vst v3;
	v3 =	vadd.s32 $0xFFFFFC18, v5  }
0x32: {  	[tilespmem:$0x410] =	vst v3  }
0x33: {  	[tilespmem:s17], [sflag:$0x3] =	stream.indirect_vreg.gather [hbm4b:s2+s3], $0x80, v6, vm0, $0xb8;
	[tilespmem:$0x18600] =	vst v63  }
0x34: {  	_ = 	snop  }
0x35: {  	[tilespmem:s13], [sflag:$0x3] =	stream.indirect_vreg.gather [hbm4b:s2+s3], $0x80, v4, vm0, $0xb8;
	[tilespmem:$0x18600] =	vst v63  }
0x36: {  	v3 =	vld [tilespmem:$0x410];
	_ =	sdelay $0x4  }
0x37: {  	v4 =	vshll.u32 v3, $0x1  }
0x38: {  	v3 =	vand.u32 $0x7, v3;
	v4 =	vand.u32 $0xFFFFFFF0, v4  }
0x39: {  	v3 =	vor.u32 v3, v4  }
0x3a: {  	v4 =	vperm.xlane v3, v0;
	_ =	sdelay $0x1  }
0x3b: {  	v3 =	vperm.xlane v3, v2;
	v4 =	vadd.s32 v1, v4;
	_ =	sdelay $0x1  }
0x3c: {  	v3 =	vadd.s32 v1, v3;
	_ =	sdelay $0x2  }
0x3d: {  	[tilespmem:s22], [sflag:$0x3] =	stream.indirect_vreg.gather [hbm4b:s2+s3], $0x80, v4, vm0, $0xb8;
	[tilespmem:$0x18600] =	vst v63  }
0x3e: {  	s23 =	simm.s32 $0x1E00  }
0x3f: {  	[tilespmem:s23], [sflag:$0x3] =	stream.indirect_vreg.gather [hbm4b:s2+s3], $0x80, v3, vm0, $0xb8;
	[tilespmem:$0x18600] =	vst v63  }
0x40: {  	v3 =	vld [tilespmem:$0x220]  }
0x41: {  	v6 =	vld [tilespmem:$0x250]  }
0x42: {  	v4 =	vld [tilespmem:$0x230]  }
0x43: {  	v5 =	vld [tilespmem:$0x240];
	_ =	sdelay $0x1  }
0x44: {  	v11 =	vld [tilespmem:$0x260]  }
0x45: {  	v7 =	vld [tilespmem:$0x20];
	vm1 =	vgt.s32 v3, $0x1;
	vm2 =	vgt.s32 v6, $0x1  }
0x46: {  	v12 =	vld [tilespmem:$0x270];
	v3 =	vnsel vm1, $0x1, v3;
	vm1 =	vgt.s32 v4, $0x1;
	v6 =	vnsel vm2, $0x1, v6  }
0x47: {  	v10 =	vld [tilespmem:$0x50];
	v3 =	vmin.u32 v3, $0x1FE;
	v4 =	vnsel vm1, $0x1, v4;
	vm1 =	vgt.s32 v5, $0x1  }
0x48: {  	v8 =	vld [tilespmem:$0x30];
	v6 =	vmin.u32 v6, $0x1FE;
	v3 =	vmul.u32 $0x3E8, v3;
	v4 =	vmin.u32 v4, $0x1FE  }
0x49: {  	v5 =	vnsel vm1, $0x1, v5;
	v6 =	vmul.u32 $0x3E8, v6;
	vm1 =	vgt.s32 v11, $0x1  }
0x4a: {  	v9 =	vld [tilespmem:$0x40];
	v4 =	vmul.u32 $0x3E8, v4;
	v5 =	vmin.u32 v5, $0x1FE;
	v3 =	vadd.s32 v3, v7  }
0x4b: {  	v57 =	vnsel vm1, $0x1, v11;
	vm1 =	vgt.s32 v12, $0x1;
	v3 =	vadd.s32 $0xFFFFFC18, v3  }
0x4c: {  	v5 =	vmul.u32 $0x3E8, v5;
	v6 =	vadd.s32 v6, v10;
	v55 =	vshll.u32 v3, $0x1  }
0x4d: {  	v56 =	vld [tilespmem:$0x60];
	v7 =	vand.u32 $0x7, v7;
	v4 =	vadd.s32 v4, v8;
	v8 =	vand.u32 $0xFFFFFFF0, v55  }
0x4e: {  	v58 =	vld [tilespmem:$0x70];
	v59 =	vmin.u32 v57, $0x1FE;
	v60 =	vnsel vm1, $0x1, v12;
	v7 =	vor.u32 v7, v8  }
0x4f: {  	v62 =	vmin.u32 v60, $0x1FE;
	v5 =	vadd.s32 v5, v9;
	v61 =	vperm.xlane v7, v0  }
0x50: {  	v4 =	vadd.s32 $0xFFFFFC18, v4;
	[tilespmem:$0x420] =	vst v3;
	v3 =	vadd.s32 $0xFFFFFC18, v5;
	v5 =	vmul.u32 $0x3E8, v59  }
0x51: {  	[tilespmem:$0x430] =	vst v4;
	v4 =	vmul.u32 $0x3E8, v62;
	v7 =	vperm.xlane v7, v2;
	v63 =	vadd.s32 v1, v61  }
0x52: {  	[tilespmem:$0x440] =	vst v3;
	v3 =	vadd.s32 v5, v56;
	v5 =	vadd.s32 $0xFFFFFC18, v6  }
0x53: {  	v4 =	vadd.s32 v4, v58;
	[tilespmem:$0x450] =	vst v5;
	v3 =	vadd.s32 $0xFFFFFC18, v3;
	v5 =	vadd.s32 v1, v7  }
0x54: {  	[tilespmem:$0x460] =	vst v3;
	v3 =	vadd.s32 $0xFFFFFC18, v4  }
0x55: {  	[tilespmem:$0x470] =	vst v3  }
0x56: {  	[tilespmem:s21], [sflag:$0x4] =	stream.indirect_vreg.gather [hbm4b:s2+s3], $0x80, v63, vm0, $0xb8;
	[tilespmem:$0x18600] =	vst v63  }
0x57: {  	s23 =	simm.s32 $0x6E00  }
0x58: {  	[tilespmem:s23], [sflag:$0x4] =	stream.indirect_vreg.gather [hbm4b:s2+s3], $0x80, v5, vm0, $0xb8;
	[tilespmem:$0x18600] =	vst v63  }
0x59: {  	v3 =	vld [tilespmem:$0x430];
	_ =	sdelay $0x4  }
0x5a: {  	v4 =	vshll.u32 v3, $0x1  }
0x5b: {  	v3 =	vand.u32 $0x7, v3;
	v4 =	vand.u32 $0xFFFFFFF0, v4  }
0x5c: {  	v3 =	vor.u32 v3, v4  }
0x5d: {  	v4 =	vperm.xlane v3, v0;
	_ =	sdelay $0x1  }
0x5e: {  	v3 =	vperm.xlane v3, v2;
	v4 =	vadd.s32 v1, v4;
	_ =	sdelay $0x1  }
0x5f: {  	v3 =	vadd.s32 v1, v3;
	_ =	sdelay $0x1  }
0x60: {  	s24 =	simm.s32 $0x7600  }
0x61: {  	[tilespmem:s24], [sflag:$0x4] =	stream.indirect_vreg.gather [hbm4b:s2+s3], $0x80, v4, vm0, $0xb8;
	[tilespmem:$0x18600] =	vst v63  }
0x62: {  	s24 =	simm.s32 $0x7E00  }
0x63: {  	[tilespmem:s24], [sflag:$0x4] =	stream.indirect_vreg.gather [hbm4b:s2+s3], $0x80, v3, vm0, $0xb8;
	[tilespmem:$0x18600] =	vst v63  }
0x64: {  	v3 =	vld [tilespmem:$0x440];
	_ =	sdelay $0x4  }
0x65: {  	v4 =	vshll.u32 v3, $0x1  }
0x66: {  	v3 =	vand.u32 $0x7, v3;
	v4 =	vand.u32 $0xFFFFFFF0, v4  }
0x67: {  	v3 =	vor.u32 v3, v4  }
0x68: {  	v4 =	vperm.xlane v3, v0;
	_ =	sdelay $0x1  }
0x69: {  	v3 =	vperm.xlane v3, v2;
	v4 =	vadd.s32 v1, v4;
	_ =	sdelay $0x1  }
0x6a: {  	v3 =	vadd.s32 v1, v3;
	_ =	sdelay $0x2  }
0x6b: {  	[tilespmem:s25], [sflag:$0x4] =	stream.indirect_vreg.gather [hbm4b:s2+s3], $0x80, v4, vm0, $0xb8;
	[tilespmem:$0x18600] =	vst v63  }
0x6c: {  	_ = 	snop  }
0x6d: {  	[tilespmem:s26], [sflag:$0x4] =	stream.indirect_vreg.gather [hbm4b:s2+s3], $0x80, v3, vm0, $0xb8;
	[tilespmem:$0x18600] =	vst v63  }
0x6e: {  	v3 =	vld [tilespmem:$0x450];
	_ =	sdelay $0x4  }
0x6f: {  	v4 =	vshll.u32 v3, $0x1  }
0x70: {  	v3 =	vand.u32 $0x7, v3;
	v4 =	vand.u32 $0xFFFFFFF0, v4  }
0x71: {  	v3 =	vor.u32 v3, v4  }
0x72: {  	v4 =	vperm.xlane v3, v0;
	_ =	sdelay $0x1  }
0x73: {  	v3 =	vperm.xlane v3, v2;
	v4 =	vadd.s32 v1, v4;
	_ =	sdelay $0x1  }
0x74: {  	v3 =	vadd.s32 v1, v3;
	_ =	sdelay $0x2  }
0x75: {  	[tilespmem:s28], [sflag:$0x4] =	stream.indirect_vreg.gather [hbm4b:s2+s3], $0x80, v4, vm0, $0xb8;
	[tilespmem:$0x18600] =	vst v63  }
0x76: {  	_ = 	snop  }
0x77: {  	[tilespmem:s29], [sflag:$0x4] =	stream.indirect_vreg.gather [hbm4b:s2+s3], $0x80, v3, vm0, $0xb8;
	[tilespmem:$0x18600] =	vst v63  }
0x78: {  	v3 =	vld [tilespmem:$0x460];
	_ =	sdelay $0x4  }
0x79: {  	v4 =	vshll.u32 v3, $0x1  }
0x7a: {  	v3 =	vand.u32 $0x7, v3;
	v4 =	vand.u32 $0xFFFFFFF0, v4  }
0x7b: {  	v3 =	vor.u32 v3, v4  }
0x7c: {  	v4 =	vperm.xlane v3, v0;
	_ =	sdelay $0x1  }
0x7d: {  	v3 =	vperm.xlane v3, v2;
	v4 =	vadd.s32 v1, v4;
	_ =	sdelay $0x1  }
0x7e: {  	v3 =	vadd.s32 v1, v3;
	_ =	sdelay $0x1  }
0x7f: {  	s13 =	simm.s32 $0xA600  }
0x80: {  	[tilespmem:s13], [sflag:$0x4] =	stream.indirect_vreg.gather [hbm4b:s2+s3], $0x80, v4, vm0, $0xb8;
	[tilespmem:$0x18600] =	vst v63  }
0x81: {  	s22 =	simm.s32 $0xAE00  }
0x82: {  	[tilespmem:s22], [sflag:$0x4] =	stream.indirect_vreg.gather [hbm4b:s2+s3], $0x80, v3, vm0, $0xb8;
	[tilespmem:$0x18600] =	vst v63  }
0x83: {  	v3 =	vld [tilespmem:$0x470];
	_ =	sdelay $0x4  }
0x84: {  	v4 =	vshll.u32 v3, $0x1  }
0x85: {  	v3 =	vand.u32 $0x7, v3;
	v4 =	vand.u32 $0xFFFFFFF0, v4  }
0x86: {  	v3 =	vor.u32 v3, v4  }
0x87: {  	v4 =	vperm.xlane v3, v0;
	_ =	sdelay $0x1  }
0x88: {  	v3 =	vperm.xlane v3, v2;
	v4 =	vadd.s32 v1, v4;
	_ =	sdelay $0x1  }
0x89: {  	v3 =	vadd.s32 v1, v3;
	_ =	sdelay $0x1  }
0x8a: {  	s12 =	simm.s32 $0xB600  }
0x8b: {  	[tilespmem:s12], [sflag:$0x4] =	stream.indirect_vreg.gather [hbm4b:s2+s3], $0x80, v4, vm0, $0xb8;
	[tilespmem:$0x18600] =	vst v63  }
0x8c: {  	s11 =	sand.u32 $0x1F0, s3;
	s13 =	simm.s32 $0xBE00  }
0x8d: {  	[tilespmem:s13], [sflag:$0x4] =	stream.indirect_vreg.gather [hbm4b:s2+s3], $0x80, v3, vm0, $0xb8;
	[tilespmem:$0x18600] =	vst v63  }
0x8e: {  	v3 =	vld [tilespmem:s11+$0x280];
	_ =	sdelay $0x4  }
0x8f: {  	vm1 =	vgt.s32 v3, $0x1  }
0x90: {  	s22 =	simm.s32 $0x10;
	v3 =	vnsel vm1, $0x1, v3  }
0x91: {  	s12 =	sand.u32 $0x1F0, s22;
	v4 =	vld [tilespmem:s11+$0x80];
	v3 =	vmin.u32 v3, $0x1FE  }
0x92: {  	v5 =	vmul.u32 $0x3E8, v3;
	v3 =	vld [tilespmem:s12+$0x280];
	_ =	sdelay $0x3  }
0x93: {  	s22 =	simm.s32 $0x20;
	v4 =	vadd.s32 v5, v4  }
.LBB2_2:
0x94: {  	s13 =	sand.u32 $0x1F0, s22;
	p0 =	sne.s32 s22, $0x170;
	s22 =	sadd.s32 $0x10, s22;
	v5 =	vld [tilespmem:s12+$0x80];
	vm1 =	vgt.s32 v3, $0x1;
	v4 =	vadd.s32 $0xFFFFFC18, v4  }
.Ltmp0:
0x95: {  	v6 =	vnsel vm1, $0x1, v3;
	v3 =	vld [tilespmem:s13+$0x280];
	[tilespmem:s11+$0x480] =	vst v4;
	s11 =	smov.u32 s12;
	s12 =	smov.u32 s13;
	(pc) =	sbr.rel @p0 .LBB2_2-.Ltmp0, $3  }
0x96: {  	v4 =	vmin.u32 v6, $0x1FE  }
0x97: {  	v4 =	vmul.u32 $0x3E8, v4;
	_ =	sdelay $0x1  }
0x98: {  	v4 =	vadd.s32 v4, v5  }
0x99: {  	v5 =	vld [tilespmem:s12+$0x80];
	vm1 =	vgt.s32 v3, $0x1  }
0x9a: {  	v3 =	vnsel vm1, $0x1, v3  }
0x9b: {  	v3 =	vmin.u32 v3, $0x1FE  }
0x9c: {  	v3 =	vmul.u32 $0x3E8, v3;
	_ =	sdelay $0x1  }
0x9d: {  	v4 =	vadd.s32 $0xFFFFFC18, v4;
	v3 =	vadd.s32 v3, v5  }
0x9e: {  	[tilespmem:s11+$0x480] =	vst v4;
	v3 =	vadd.s32 $0xFFFFFC18, v3  }
0x9f: {  	[tilespmem:s12+$0x480] =	vst v3  }
0xa0: {  	v3 =	vld [tilespmem:$0x480];
	_ =	sdelay $0x4  }
0xa1: {  	v40 =	vshll.u32 v3, $0x1  }
0xa2: {  	v3 =	vand.u32 $0x7, v3;
	v4 =	vand.u32 $0xFFFFFFF0, v40  }
0xa3: {  	v3 =	vor.u32 v3, v4  }
0xa4: {  	v4 =	vperm.xlane v3, v0;
	_ =	sdelay $0x1  }
0xa5: {  	v3 =	vperm.xlane v3, v2;
	v4 =	vadd.s32 v1, v4;
	_ =	sdelay $0x1  }
0xa6: {  	v3 =	vadd.s32 v1, v3;
	_ =	sdelay $0x2  }
0xa7: {  	[tilespmem:s14], [sflag:$0x5] =	stream.indirect_vreg.gather [hbm4b:s2+s3], $0x80, v4, vm0, $0xb8;
	[tilespmem:$0x18600] =	vst v63  }
0xa8: {  	_ = 	snop  }
0xa9: {  	[tilespmem:s30], [sflag:$0x5] =	stream.indirect_vreg.gather [hbm4b:s2+s3], $0x80, v3, vm0, $0xb8;
	[tilespmem:$0x18600] =	vst v63  }
0xaa: {  	v3 =	vld [tilespmem:$0x490];
	_ =	sdelay $0x4  }
0xab: {  	v41 =	vshll.u32 v3, $0x1  }
0xac: {  	v3 =	vand.u32 $0x7, v3;
	v4 =	vand.u32 $0xFFFFFFF0, v41  }
0xad: {  	v3 =	vor.u32 v3, v4  }
0xae: {  	v4 =	vperm.xlane v3, v0;
	_ =	sdelay $0x1  }
0xaf: {  	v3 =	vperm.xlane v3, v2;
	v4 =	vadd.s32 v1, v4;
	_ =	sdelay $0x1  }
0xb0: {  	v3 =	vadd.s32 v1, v3;
	_ =	sdelay $0x2  }
0xb1: {  	[tilespmem:s31], [sflag:$0x5] =	stream.indirect_vreg.gather [hbm4b:s2+s3], $0x80, v4, vm0, $0xb8;
	[tilespmem:$0x18600] =	vst v63  }
0xb2: {  	_ = 	snop  }
0xb3: {  	[tilespmem:s0], [sflag:$0x5] =	stream.indirect_vreg.gather [hbm4b:s2+s3], $0x80, v3, vm0, $0xb8;
	[tilespmem:$0x18600] =	vst v63  }
0xb4: {  	v3 =	vld [tilespmem:$0x4A0];
	_ =	sdelay $0x4  }
0xb5: {  	v42 =	vshll.u32 v3, $0x1  }
0xb6: {  	v3 =	vand.u32 $0x7, v3;
	v4 =	vand.u32 $0xFFFFFFF0, v42  }
0xb7: {  	v3 =	vor.u32 v3, v4  }
0xb8: {  	v4 =	vperm.xlane v3, v0;
	_ =	sdelay $0x1  }
0xb9: {  	v3 =	vperm.xlane v3, v2;
	v4 =	vadd.s32 v1, v4;
	_ =	sdelay $0x1  }
0xba: {  	v3 =	vadd.s32 v1, v3;
	_ =	sdelay $0x1  }
0xbb: {  	s22 =	simm.s32 $0xE600  }
0xbc: {  	[tilespmem:s22], [sflag:$0x5] =	stream.indirect_vreg.gather [hbm4b:s2+s3], $0x80, v4, vm0, $0xb8;
	[tilespmem:$0x18600] =	vst v63  }
0xbd: {  	s12 =	simm.s32 $0xEE00  }
0xbe: {  	[tilespmem:s12], [sflag:$0x5] =	stream.indirect_vreg.gather [hbm4b:s2+s3], $0x80, v3, vm0, $0xb8;
	[tilespmem:$0x18600] =	vst v63  }
0xbf: {  	v3 =	vld [tilespmem:$0x4B0];
	_ =	sdelay $0x4  }
0xc0: {  	v43 =	vshll.u32 v3, $0x1  }
0xc1: {  	v3 =	vand.u32 $0x7, v3;
	v4 =	vand.u32 $0xFFFFFFF0, v43  }
0xc2: {  	v3 =	vor.u32 v3, v4  }
0xc3: {  	v4 =	vperm.xlane v3, v0;
	_ =	sdelay $0x1  }
0xc4: {  	v3 =	vperm.xlane v3, v2;
	v4 =	vadd.s32 v1, v4;
	_ =	sdelay $0x1  }
0xc5: {  	v3 =	vadd.s32 v1, v3;
	_ =	sdelay $0x1  }
0xc6: {  	s13 =	simm.s32 $0xF600  }
0xc7: {  	[tilespmem:s13], [sflag:$0x5] =	stream.indirect_vreg.gather [hbm4b:s2+s3], $0x80, v4, vm0, $0xb8;
	[tilespmem:$0x18600] =	vst v63  }
0xc8: {  	s22 =	simm.s32 $0xFE00  }
0xc9: {  	[tilespmem:s22], [sflag:$0x5] =	stream.indirect_vreg.gather [hbm4b:s2+s3], $0x80, v3, vm0, $0xb8;
	[tilespmem:$0x18600] =	vst v63  }
0xca: {  	v3 =	vld [tilespmem:$0x4C0];
	_ =	sdelay $0x4  }
0xcb: {  	v44 =	vshll.u32 v3, $0x1  }
0xcc: {  	v3 =	vand.u32 $0x7, v3;
	v4 =	vand.u32 $0xFFFFFFF0, v44  }
0xcd: {  	v3 =	vor.u32 v3, v4  }
0xce: {  	v4 =	vperm.xlane v3, v0;
	_ =	sdelay $0x1  }
0xcf: {  	v3 =	vperm.xlane v3, v2;
	v4 =	vadd.s32 v1, v4;
	_ =	sdelay $0x1  }
0xd0: {  	v3 =	vadd.s32 v1, v3;
	_ =	sdelay $0x1  }
0xd1: {  	s12 =	simm.s32 $0x10600  }
0xd2: {  	[tilespmem:s12], [sflag:$0x5] =	stream.indirect_vreg.gather [hbm4b:s2+s3], $0x80, v4, vm0, $0xb8;
	[tilespmem:$0x18600] =	vst v63  }
0xd3: {  	s13 =	simm.s32 $0x10E00  }
0xd4: {  	[tilespmem:s13], [sflag:$0x5] =	stream.indirect_vreg.gather [hbm4b:s2+s3], $0x80, v3, vm0, $0xb8;
	[tilespmem:$0x18600] =	vst v63  }
0xd5: {  	v3 =	vld [tilespmem:$0x4D0];
	_ =	sdelay $0x4  }
0xd6: {  	v45 =	vshll.u32 v3, $0x1  }
0xd7: {  	v3 =	vand.u32 $0x7, v3;
	v4 =	vand.u32 $0xFFFFFFF0, v45  }
0xd8: {  	v3 =	vor.u32 v3, v4  }
0xd9: {  	v4 =	vperm.xlane v3, v0;
	_ =	sdelay $0x1  }
0xda: {  	v3 =	vperm.xlane v3, v2;
	v4 =	vadd.s32 v1, v4;
	_ =	sdelay $0x1  }
0xdb: {  	v3 =	vadd.s32 v1, v3;
	_ =	sdelay $0x1  }
0xdc: {  	s22 =	simm.s32 $0x11600  }
0xdd: {  	[tilespmem:s22], [sflag:$0x5] =	stream.indirect_vreg.gather [hbm4b:s2+s3], $0x80, v4, vm0, $0xb8;
	[tilespmem:$0x18600] =	vst v63  }
0xde: {  	s12 =	simm.s32 $0x11E00  }
0xdf: {  	[tilespmem:s12], [sflag:$0x5] =	stream.indirect_vreg.gather [hbm4b:s2+s3], $0x80, v3, vm0, $0xb8;
	[tilespmem:$0x18600] =	vst v63  }
0xe0: {  	v3 =	vld [tilespmem:$0x4E0];
	_ =	sdelay $0x4  }
0xe1: {  	v46 =	vshll.u32 v3, $0x1  }
0xe2: {  	v3 =	vand.u32 $0x7, v3;
	v4 =	vand.u32 $0xFFFFFFF0, v46  }
0xe3: {  	v3 =	vor.u32 v3, v4  }
0xe4: {  	v4 =	vperm.xlane v3, v0;
	_ =	sdelay $0x1  }
0xe5: {  	v3 =	vperm.xlane v3, v2;
	v4 =	vadd.s32 v1, v4;
	_ =	sdelay $0x1  }
0xe6: {  	v3 =	vadd.s32 v1, v3;
	_ =	sdelay $0x2  }
0xe7: {  	[tilespmem:s1], [sflag:$0x6] =	stream.indirect_vreg.gather [hbm4b:s2+s3], $0x80, v4, vm0, $0xb8;
	[tilespmem:$0x18600] =	vst v63  }
0xe8: {  	s13 =	simm.s32 $0x12E00  }
0xe9: {  	[tilespmem:s13], [sflag:$0x6] =	stream.indirect_vreg.gather [hbm4b:s2+s3], $0x80, v3, vm0, $0xb8;
	[tilespmem:$0x18600] =	vst v63  }
0xea: {  	v3 =	vld [tilespmem:$0x4F0];
	_ =	sdelay $0x4  }
0xeb: {  	v47 =	vshll.u32 v3, $0x1  }
0xec: {  	v3 =	vand.u32 $0x7, v3;
	v4 =	vand.u32 $0xFFFFFFF0, v47  }
0xed: {  	v3 =	vor.u32 v3, v4  }
0xee: {  	v4 =	vperm.xlane v3, v0;
	_ =	sdelay $0x1  }
0xef: {  	v3 =	vperm.xlane v3, v2;
	v4 =	vadd.s32 v1, v4;
	_ =	sdelay $0x1  }
0xf0: {  	v3 =	vadd.s32 v1, v3;
	_ =	sdelay $0x1  }
0xf1: {  	s22 =	simm.s32 $0x13600  }
0xf2: {  	[tilespmem:s22], [sflag:$0x6] =	stream.indirect_vreg.gather [hbm4b:s2+s3], $0x80, v4, vm0, $0xb8;
	[tilespmem:$0x18600] =	vst v63  }
0xf3: {  	s12 =	simm.s32 $0x13E00  }
0xf4: {  	[tilespmem:s12], [sflag:$0x6] =	stream.indirect_vreg.gather [hbm4b:s2+s3], $0x80, v3, vm0, $0xb8;
	[tilespmem:$0x18600] =	vst v63  }
0xf5: {  	v3 =	vld [tilespmem:$0x500];
	_ =	sdelay $0x4  }
0xf6: {  	v48 =	vshll.u32 v3, $0x1  }
0xf7: {  	v3 =	vand.u32 $0x7, v3;
	v4 =	vand.u32 $0xFFFFFFF0, v48  }
0xf8: {  	v3 =	vor.u32 v3, v4  }
0xf9: {  	v4 =	vperm.xlane v3, v0;
	_ =	sdelay $0x1  }
0xfa: {  	v3 =	vperm.xlane v3, v2;
	v4 =	vadd.s32 v1, v4;
	_ =	sdelay $0x1  }
0xfb: {  	v3 =	vadd.s32 v1, v3;
	_ =	sdelay $0x1  }
0xfc: {  	s13 =	simm.s32 $0x14600  }
0xfd: {  	[tilespmem:s13], [sflag:$0x6] =	stream.indirect_vreg.gather [hbm4b:s2+s3], $0x80, v4, vm0, $0xb8;
	[tilespmem:$0x18600] =	vst v63  }
0xfe: {  	s22 =	simm.s32 $0x14E00  }
0xff: {  	[tilespmem:s22], [sflag:$0x6] =	stream.indirect_vreg.gather [hbm4b:s2+s3], $0x80, v3, vm0, $0xb8;
	[tilespmem:$0x18600] =	vst v63  }
0x100: {  	v3 =	vld [tilespmem:$0x510];
	_ =	sdelay $0x4  }
0x101: {  	v49 =	vshll.u32 v3, $0x1  }
0x102: {  	v3 =	vand.u32 $0x7, v3;
	v4 =	vand.u32 $0xFFFFFFF0, v49  }
0x103: {  	v3 =	vor.u32 v3, v4  }
0x104: {  	v4 =	vperm.xlane v3, v0;
	_ =	sdelay $0x1  }
0x105: {  	v3 =	vperm.xlane v3, v2;
	v4 =	vadd.s32 v1, v4;
	_ =	sdelay $0x1  }
0x106: {  	v3 =	vadd.s32 v1, v3;
	_ =	sdelay $0x1  }
0x107: {  	s12 =	simm.s32 $0x15600  }
0x108: {  	[tilespmem:s12], [sflag:$0x6] =	stream.indirect_vreg.gather [hbm4b:s2+s3], $0x80, v4, vm0, $0xb8;
	[tilespmem:$0x18600] =	vst v63  }
0x109: {  	s13 =	simm.s32 $0x15E00  }
0x10a: {  	[tilespmem:s13], [sflag:$0x6] =	stream.indirect_vreg.gather [hbm4b:s2+s3], $0x80, v3, vm0, $0xb8;
	[tilespmem:$0x18600] =	vst v63  }
0x10b: {  	v3 =	vld [tilespmem:$0x520];
	_ =	sdelay $0x4  }
0x10c: {  	v50 =	vshll.u32 v3, $0x1  }
0x10d: {  	v3 =	vand.u32 $0x7, v3;
	v4 =	vand.u32 $0xFFFFFFF0, v50  }
0x10e: {  	v3 =	vor.u32 v3, v4  }
0x10f: {  	v4 =	vperm.xlane v3, v0;
	_ =	sdelay $0x1  }
0x110: {  	v3 =	vperm.xlane v3, v2;
	v4 =	vadd.s32 v1, v4;
	_ =	sdelay $0x1  }
0x111: {  	v3 =	vadd.s32 v1, v3;
	_ =	sdelay $0x1  }
0x112: {  	s22 =	simm.s32 $0x16600  }
0x113: {  	[tilespmem:s22], [sflag:$0x6] =	stream.indirect_vreg.gather [hbm4b:s2+s3], $0x80, v4, vm0, $0xb8;
	[tilespmem:$0x18600] =	vst v63  }
0x114: {  	s12 =	simm.s32 $0x16E00  }
0x115: {  	[tilespmem:s12], [sflag:$0x6] =	stream.indirect_vreg.gather [hbm4b:s2+s3], $0x80, v3, vm0, $0xb8;
	[tilespmem:$0x18600] =	vst v63  }
0x116: {  	v3 =	vld [tilespmem:$0x530];
	_ =	sdelay $0x4  }
0x117: {  	v51 =	vshll.u32 v3, $0x1  }
0x118: {  	v3 =	vand.u32 $0x7, v3;
	v4 =	vand.u32 $0xFFFFFFF0, v51  }
0x119: {  	v3 =	vor.u32 v3, v4  }
0x11a: {  	v4 =	vperm.xlane v3, v0;
	_ =	sdelay $0x1  }
0x11b: {  	v3 =	vperm.xlane v3, v2;
	v4 =	vadd.s32 v1, v4;
	_ =	sdelay $0x1  }
0x11c: {  	v3 =	vadd.s32 v1, v3;
	_ =	sdelay $0x1  }
0x11d: {  	s13 =	simm.s32 $0x17600  }
0x11e: {  	[tilespmem:s13], [sflag:$0x6] =	stream.indirect_vreg.gather [hbm4b:s2+s3], $0x80, v4, vm0, $0xb8;
	[tilespmem:$0x18600] =	vst v63  }
0x11f: {  	s22 =	simm.s32 $0x17E00  }
0x120: {  	[tilespmem:s22], [sflag:$0x6] =	stream.indirect_vreg.gather [hbm4b:s2+s3], $0x80, v3, vm0, $0xb8;
	[tilespmem:$0x18600] =	vst v63  }
0x121: {  	_ =	swait.ge [sflag:s5], $0x2000  }
0x122: {  	[sflag:s5] =	ssyncset.done $0x0  }
0x123: {  	[sflag:s5] =	ssyncadd.s32 $0xFFFFE000  }
0x124: {  	[hbm4b:s4+s3] =	stream.linear.scatter [tilespmem:s17], [sflag:$0x7], $0x2000, $0x38;
	[tilespmem:$0x18600] =	vst v63  }
0x125: {  	_ =	swait.ge [sflag:s6], $0x2000  }
0x126: {  	[sflag:s6] =	ssyncset.done $0x0  }
0x127: {  	[sflag:s6] =	ssyncadd.s32 $0xFFFFE000  }
0x128: {  	v3 =	vld [tilespmem:$0x540];
	_ =	sdelay $0x4  }
0x129: {  	v52 =	vshll.u32 v3, $0x1  }
0x12a: {  	v3 =	vand.u32 $0x7, v3;
	v4 =	vand.u32 $0xFFFFFFF0, v52  }
0x12b: {  	v3 =	vor.u32 v3, v4  }
0x12c: {  	v4 =	vperm.xlane v3, v0;
	_ =	sdelay $0x1  }
0x12d: {  	v3 =	vperm.xlane v3, v2;
	v4 =	vadd.s32 v1, v4;
	_ =	sdelay $0x1  }
0x12e: {  	v3 =	vadd.s32 v1, v3;
	_ =	sdelay $0x2  }
0x12f: {  	[tilespmem:s17], [sflag:$0x3] =	stream.indirect_vreg.gather [hbm4b:s2+s3], $0x80, v4, vm0, $0xb8;
	[tilespmem:$0x18600] =	vst v63  }
0x130: {  	s13 =	simm.s32 $0xE00  }
0x131: {  	[tilespmem:s13], [sflag:$0x3] =	stream.indirect_vreg.gather [hbm4b:s2+s3], $0x80, v3, vm0, $0xb8;
	[tilespmem:$0x18600] =	vst v63  }
0x132: {  	v3 =	vld [tilespmem:$0x550];
	_ =	sdelay $0x4  }
0x133: {  	v53 =	vshll.u32 v3, $0x1  }
0x134: {  	v3 =	vand.u32 $0x7, v3;
	v4 =	vand.u32 $0xFFFFFFF0, v53  }
0x135: {  	v3 =	vor.u32 v3, v4  }
0x136: {  	v4 =	vperm.xlane v3, v0;
	_ =	sdelay $0x1  }
0x137: {  	v3 =	vperm.xlane v3, v2;
	v4 =	vadd.s32 v1, v4;
	_ =	sdelay $0x1  }
0x138: {  	v3 =	vadd.s32 v1, v3;
	_ =	sdelay $0x1  }
0x139: {  	s22 =	simm.s32 $0x1600  }
0x13a: {  	[tilespmem:s22], [sflag:$0x3] =	stream.indirect_vreg.gather [hbm4b:s2+s3], $0x80, v4, vm0, $0xb8;
	[tilespmem:$0x18600] =	vst v63  }
0x13b: {  	s12 =	simm.s32 $0x1E00  }
0x13c: {  	[tilespmem:s12], [sflag:$0x3] =	stream.indirect_vreg.gather [hbm4b:s2+s3], $0x80, v3, vm0, $0xb8;
	[tilespmem:$0x18600] =	vst v63  }
0x13d: {  	v3 =	vld [tilespmem:$0x560];
	_ =	sdelay $0x4  }
0x13e: {  	v54 =	vshll.u32 v3, $0x1  }
0x13f: {  	v3 =	vand.u32 $0x7, v3;
	v4 =	vand.u32 $0xFFFFFFF0, v54  }
0x140: {  	v3 =	vor.u32 v3, v4  }
0x141: {  	v4 =	vperm.xlane v3, v0;
	_ =	sdelay $0x1  }
0x142: {  	v3 =	vperm.xlane v3, v2;
	v4 =	vadd.s32 v1, v4;
	_ =	sdelay $0x1  }
0x143: {  	v3 =	vadd.s32 v1, v3;
	_ =	sdelay $0x1  }
0x144: {  	s12 =	simm.s32 $0x2600  }
0x145: {  	[tilespmem:s12], [sflag:$0x3] =	stream.indirect_vreg.gather [hbm4b:s2+s3], $0x80, v4, vm0, $0xb8;
	[tilespmem:$0x18600] =	vst v63  }
0x146: {  	s12 =	simm.s32 $0x2E00  }
0x147: {  	[tilespmem:s12], [sflag:$0x3] =	stream.indirect_vreg.gather [hbm4b:s2+s3], $0x80, v3, vm0, $0xb8;
	[tilespmem:$0x18600] =	vst v63  }
0x148: {  	v3 =	vld [tilespmem:$0x570];
	_ =	sdelay $0x4  }
0x149: {  	v55 =	vshll.u32 v3, $0x1  }
0x14a: {  	v3 =	vand.u32 $0x7, v3;
	v4 =	vand.u32 $0xFFFFFFF0, v55  }
0x14b: {  	v3 =	vor.u32 v3, v4  }
0x14c: {  	v4 =	vperm.xlane v3, v0;
	_ =	sdelay $0x1  }
0x14d: {  	v3 =	vperm.xlane v3, v2;
	v4 =	vadd.s32 v1, v4;
	_ =	sdelay $0x1  }
0x14e: {  	v3 =	vadd.s32 v1, v3;
	_ =	sdelay $0x1  }
0x14f: {  	s12 =	simm.s32 $0x3600  }
0x150: {  	[tilespmem:s12], [sflag:$0x3] =	stream.indirect_vreg.gather [hbm4b:s2+s3], $0x80, v4, vm0, $0xb8;
	[tilespmem:$0x18600] =	vst v63  }
0x151: {  	s12 =	simm.s32 $0x3E00  }
0x152: {  	[tilespmem:s12], [sflag:$0x3] =	stream.indirect_vreg.gather [hbm4b:s2+s3], $0x80, v3, vm0, $0xb8;
	[tilespmem:$0x18600] =	vst v63  }
0x153: {  	v3 =	vld [tilespmem:$0x580];
	_ =	sdelay $0x4  }
0x154: {  	v56 =	vshll.u32 v3, $0x1  }
0x155: {  	v3 =	vand.u32 $0x7, v3;
	v4 =	vand.u32 $0xFFFFFFF0, v56  }
0x156: {  	v3 =	vor.u32 v3, v4  }
0x157: {  	v4 =	vperm.xlane v3, v0;
	_ =	sdelay $0x1  }
0x158: {  	v3 =	vperm.xlane v3, v2;
	v4 =	vadd.s32 v1, v4;
	_ =	sdelay $0x1  }
0x159: {  	v3 =	vadd.s32 v1, v3;
	_ =	sdelay $0x1  }
0x15a: {  	s12 =	simm.s32 $0x4600  }
0x15b: {  	[tilespmem:s12], [sflag:$0x3] =	stream.indirect_vreg.gather [hbm4b:s2+s3], $0x80, v4, vm0, $0xb8;
	[tilespmem:$0x18600] =	vst v63  }
0x15c: {  	s12 =	simm.s32 $0x4E00  }
0x15d: {  	[tilespmem:s12], [sflag:$0x3] =	stream.indirect_vreg.gather [hbm4b:s2+s3], $0x80, v3, vm0, $0xb8;
	[tilespmem:$0x18600] =	vst v63  }
0x15e: {  	v3 =	vld [tilespmem:$0x590];
	_ =	sdelay $0x4  }
0x15f: {  	v57 =	vshll.u32 v3, $0x1  }
0x160: {  	v3 =	vand.u32 $0x7, v3;
	v4 =	vand.u32 $0xFFFFFFF0, v57  }
0x161: {  	v3 =	vor.u32 v3, v4  }
0x162: {  	v4 =	vperm.xlane v3, v0;
	_ =	sdelay $0x1  }
0x163: {  	v3 =	vperm.xlane v3, v2;
	v4 =	vadd.s32 v1, v4;
	_ =	sdelay $0x1  }
0x164: {  	v3 =	vadd.s32 v1, v3;
	_ =	sdelay $0x1  }
0x165: {  	s12 =	simm.s32 $0x5600  }
0x166: {  	[tilespmem:s12], [sflag:$0x3] =	stream.indirect_vreg.gather [hbm4b:s2+s3], $0x80, v4, vm0, $0xb8;
	[tilespmem:$0x18600] =	vst v63  }
0x167: {  	s12 =	simm.s32 $0x5E00  }
0x168: {  	[tilespmem:s12], [sflag:$0x3] =	stream.indirect_vreg.gather [hbm4b:s2+s3], $0x80, v3, vm0, $0xb8;
	[tilespmem:$0x18600] =	vst v63  }
0x169: {  	_ =	swait.ge [sflag:s7], $0x6000  }
0x16a: {  	[sflag:s7] =	ssyncset.done $0x0  }
0x16b: {  	s12 =	rddreg [dreg:$0x7];
	[sflag:s7] =	ssyncadd.s32 $0xFFFFA000  }
0x16c: {  	[hbm4b:s12+s3] =	stream.linear.scatter [tilespmem:s21], [sflag:$0x8], $0x6000, $0x38;
	[tilespmem:$0x18600] =	vst v63  }
0x16d: {  	_ =	swait.ge [sflag:s8], $0x6000  }
0x16e: {  	[sflag:s8] =	ssyncset.done $0x0  }
0x16f: {  	[sflag:s8] =	ssyncadd.s32 $0xFFFFA000  }
0x170: {  	v3 =	vld [tilespmem:$0x5A0];
	_ =	sdelay $0x4  }
0x171: {  	v58 =	vshll.u32 v3, $0x1  }
0x172: {  	v3 =	vand.u32 $0x7, v3;
	v4 =	vand.u32 $0xFFFFFFF0, v58  }
0x173: {  	v3 =	vor.u32 v3, v4  }
0x174: {  	v4 =	vperm.xlane v3, v0;
	_ =	sdelay $0x1  }
0x175: {  	v3 =	vperm.xlane v3, v2;
	v4 =	vadd.s32 v1, v4;
	_ =	sdelay $0x1  }
0x176: {  	v3 =	vadd.s32 v1, v3;
	_ =	sdelay $0x2  }
0x177: {  	[tilespmem:s21], [sflag:$0x4] =	stream.indirect_vreg.gather [hbm4b:s2+s3], $0x80, v4, vm0, $0xb8;
	[tilespmem:$0x18600] =	vst v63  }
0x178: {  	_ = 	snop  }
0x179: {  	[tilespmem:s23], [sflag:$0x4] =	stream.indirect_vreg.gather [hbm4b:s2+s3], $0x80, v3, vm0, $0xb8;
	[tilespmem:$0x18600] =	vst v63  }
0x17a: {  	v3 =	vld [tilespmem:$0x5B0];
	_ =	sdelay $0x4  }
0x17b: {  	v59 =	vshll.u32 v3, $0x1  }
0x17c: {  	v3 =	vand.u32 $0x7, v3;
	v4 =	vand.u32 $0xFFFFFFF0, v59  }
0x17d: {  	v3 =	vor.u32 v3, v4  }
0x17e: {  	v4 =	vperm.xlane v3, v0;
	_ =	sdelay $0x1  }
0x17f: {  	v3 =	vperm.xlane v3, v2;
	v4 =	vadd.s32 v1, v4;
	_ =	sdelay $0x1  }
0x180: {  	v3 =	vadd.s32 v1, v3;
	_ =	sdelay $0x1  }
0x181: {  	s23 =	simm.s32 $0x7600  }
0x182: {  	[tilespmem:s23], [sflag:$0x4] =	stream.indirect_vreg.gather [hbm4b:s2+s3], $0x80, v4, vm0, $0xb8;
	[tilespmem:$0x18600] =	vst v63  }
0x183: {  	_ = 	snop  }
0x184: {  	[tilespmem:s24], [sflag:$0x4] =	stream.indirect_vreg.gather [hbm4b:s2+s3], $0x80, v3, vm0, $0xb8;
	[tilespmem:$0x18600] =	vst v63  }
0x185: {  	v3 =	vld [tilespmem:$0x5C0];
	_ =	sdelay $0x4  }
0x186: {  	v60 =	vshll.u32 v3, $0x1  }
0x187: {  	v3 =	vand.u32 $0x7, v3;
	v4 =	vand.u32 $0xFFFFFFF0, v60  }
0x188: {  	v3 =	vor.u32 v3, v4  }
0x189: {  	v4 =	vperm.xlane v3, v0;
	_ =	sdelay $0x1  }
0x18a: {  	v3 =	vperm.xlane v3, v2;
	v4 =	vadd.s32 v1, v4;
	_ =	sdelay $0x1  }
0x18b: {  	v3 =	vadd.s32 v1, v3;
	_ =	sdelay $0x2  }
0x18c: {  	[tilespmem:s25], [sflag:$0x4] =	stream.indirect_vreg.gather [hbm4b:s2+s3], $0x80, v4, vm0, $0xb8;
	[tilespmem:$0x18600] =	vst v63  }
0x18d: {  	_ = 	snop  }
0x18e: {  	[tilespmem:s26], [sflag:$0x4] =	stream.indirect_vreg.gather [hbm4b:s2+s3], $0x80, v3, vm0, $0xb8;
	[tilespmem:$0x18600] =	vst v63  }
0x18f: {  	v3 =	vld [tilespmem:$0x5D0];
	_ =	sdelay $0x4  }
0x190: {  	v61 =	vshll.u32 v3, $0x1  }
0x191: {  	v3 =	vand.u32 $0x7, v3;
	v4 =	vand.u32 $0xFFFFFFF0, v61  }
0x192: {  	v3 =	vor.u32 v3, v4  }
0x193: {  	v4 =	vperm.xlane v3, v0;
	_ =	sdelay $0x1  }
0x194: {  	v3 =	vperm.xlane v3, v2;
	v4 =	vadd.s32 v1, v4;
	_ =	sdelay $0x1  }
0x195: {  	v3 =	vadd.s32 v1, v3;
	_ =	sdelay $0x2  }
0x196: {  	[tilespmem:s28], [sflag:$0x4] =	stream.indirect_vreg.gather [hbm4b:s2+s3], $0x80, v4, vm0, $0xb8;
	[tilespmem:$0x18600] =	vst v63  }
0x197: {  	_ = 	snop  }
0x198: {  	[tilespmem:s29], [sflag:$0x4] =	stream.indirect_vreg.gather [hbm4b:s2+s3], $0x80, v3, vm0, $0xb8;
	[tilespmem:$0x18600] =	vst v63  }
0x199: {  	_ =	swait.ge [sflag:s18], $0x6000  }
0x19a: {  	[sflag:s18] =	ssyncset.done $0x0  }
0x19b: {  	s12 =	rddreg [dreg:$0x8];
	[sflag:s18] =	ssyncadd.s32 $0xFFFFA000  }
0x19c: {  	[hbm4b:s12+s3] =	stream.linear.scatter [tilespmem:s14], [sflag:$0x9], $0x6000, $0x38;
	[tilespmem:$0x18600] =	vst v63  }
0x19d: {  	_ =	swait.ge [sflag:s9], $0x6000  }
0x19e: {  	[sflag:s9] =	ssyncset.done $0x0  }
0x19f: {  	[sflag:s9] =	ssyncadd.s32 $0xFFFFA000  }
0x1a0: {  	v3 =	vld [tilespmem:$0x5E0];
	_ =	sdelay $0x4  }
0x1a1: {  	v62 =	vshll.u32 v3, $0x1  }
0x1a2: {  	v3 =	vand.u32 $0x7, v3;
	v4 =	vand.u32 $0xFFFFFFF0, v62  }
0x1a3: {  	v3 =	vor.u32 v3, v4  }
0x1a4: {  	v4 =	vperm.xlane v3, v0;
	_ =	sdelay $0x1  }
0x1a5: {  	v3 =	vperm.xlane v3, v2;
	v4 =	vadd.s32 v1, v4;
	_ =	sdelay $0x1  }
0x1a6: {  	v3 =	vadd.s32 v1, v3;
	_ =	sdelay $0x2  }
0x1a7: {  	[tilespmem:s14], [sflag:$0x5] =	stream.indirect_vreg.gather [hbm4b:s2+s3], $0x80, v4, vm0, $0xb8;
	[tilespmem:$0x18600] =	vst v63  }
0x1a8: {  	_ = 	snop  }
0x1a9: {  	[tilespmem:s30], [sflag:$0x5] =	stream.indirect_vreg.gather [hbm4b:s2+s3], $0x80, v3, vm0, $0xb8;
	[tilespmem:$0x18600] =	vst v63  }
0x1aa: {  	v3 =	vld [tilespmem:$0x5F0];
	_ =	sdelay $0x4  }
0x1ab: {  	v63 =	vshll.u32 v3, $0x1  }
0x1ac: {  	v3 =	vand.u32 $0x7, v3;
	v4 =	vand.u32 $0xFFFFFFF0, v63  }
0x1ad: {  	v3 =	vor.u32 v3, v4  }
0x1ae: {  	v4 =	vperm.xlane v3, v0;
	_ =	sdelay $0x1  }
0x1af: {  	v3 =	vperm.xlane v3, v2;
	v4 =	vadd.s32 v1, v4;
	_ =	sdelay $0x1  }
0x1b0: {  	v3 =	vadd.s32 v1, v3;
	_ =	sdelay $0x2  }
0x1b1: {  	[tilespmem:s31], [sflag:$0x5] =	stream.indirect_vreg.gather [hbm4b:s2+s3], $0x80, v4, vm0, $0xb8;
	[tilespmem:$0x18600] =	vst v63  }
0x1b2: {  	_ = 	snop  }
0x1b3: {  	[tilespmem:s0], [sflag:$0x5] =	stream.indirect_vreg.gather [hbm4b:s2+s3], $0x80, v3, vm0, $0xb8;
	[tilespmem:$0x18600] =	vst v63  }
0x1b4: {  	_ =	swait.ge [sflag:s19], $0x6000  }
0x1b5: {  	[sflag:s19] =	ssyncset.done $0x0  }
0x1b6: {  	s23 =	rddreg [dreg:$0x9];
	[sflag:s19] =	ssyncadd.s32 $0xFFFFA000  }
0x1b7: {  	[hbm4b:s23+s3] =	stream.linear.scatter [tilespmem:s1], [sflag:$0xA], $0x6000, $0x38;
	[tilespmem:$0x18600] =	vst v63  }
0x1b8: {  	_ =	swait.ge [sflag:s5], $0x6000  }
0x1b9: {  	[sflag:s5] =	ssyncset.done $0x0  }
0x1ba: {  	s24 =	rddreg [dreg:$0xa];
	[sflag:s5] =	ssyncadd.s32 $0xFFFFA000  }
0x1bb: {  	[hbm4b:s24+s3] =	stream.linear.scatter [tilespmem:s17], [sflag:$0x7], $0x6000, $0x38;
	[tilespmem:$0x18600] =	vst v63  }
0x1bc: {  	_ =	swait.ge [sflag:s7], $0x4000  }
0x1bd: {  	[sflag:s7] =	ssyncset.done $0x0  }
0x1be: {  	s12 =	rddreg [dreg:$0xb];
	[sflag:s7] =	ssyncadd.s32 $0xFFFFC000  }
0x1bf: {  	[hbm4b:s12+s3] =	stream.linear.scatter [tilespmem:s21], [sflag:$0x8], $0x4000, $0x38;
	[tilespmem:$0x18600] =	vst v63  }
0x1c0: {  	_ =	swait.ge [sflag:s18], $0x2000  }
0x1c1: {  	[sflag:s18] =	ssyncset.done $0x0  }
0x1c2: {  	s23 =	rddreg [dreg:$0xc];
	[sflag:s18] =	ssyncadd.s32 $0xFFFFE000  }
0x1c3: {  	[hbm4b:s23+s3] =	stream.linear.scatter [tilespmem:s14], [sflag:$0x9], $0x2000, $0x38;
	[tilespmem:$0x18600] =	vst v63  }
0x1c4: {  	_ =	swait.ge [sflag:s10], $0x6000  }
0x1c5: {  	[sflag:s10] =	ssyncset.done $0x0  }
0x1c6: {  	[sflag:s10] =	ssyncadd.s32 $0xFFFFA000  }
0x1c7: {  	_ =	swait.ge [sflag:s6], $0x6000  }
0x1c8: {  	[sflag:s6] =	ssyncset.done $0x0  }
0x1c9: {  	[sflag:s6] =	ssyncadd.s32 $0xFFFFA000  }
0x1ca: {  	_ =	swait.ge [sflag:s8], $0x4000  }
0x1cb: {  	[sflag:s8] =	ssyncset.done $0x0  }
0x1cc: {  	[sflag:s8] =	ssyncadd.s32 $0xFFFFC000  }
0x1cd: {  	_ =	swait.ge [sflag:s9], $0x2000  }
0x1ce: {  	s20 =	sadd.s32 $0x1, s20;
	s24 =	rddreg [dreg:$0xd]  }
0x1cf: {  	p0 =	sne.s32 s20, s24  }
.Ltmp1:
0x1d0: {  	_ = 	snop;
	(pc) =	sbr.rel @p0 .LBB2_1-.Ltmp1, $3  }
0x1d1: {  	_ =	sdelay $0x1  }
0x1d2: {  	[sflag:s9] =	ssyncset.done $0x0  }
0x1d3: {  	[sflag:s9] =	ssyncadd.s32 $0xFFFFE000  }
0x1d4: {  	_ =	sfence.sel $0x180000  }
0x1d5: {  	[bflag:$0x0] =	sbarrier.arrive $0xFFFF  }
0x1d6: {  	_ =	strace $0x90000047  }
0x1d7: {  	s0 =	stileid.u32;
	[bflag:$0x2] =	sbarrier.arrive $0xFFFF  }
0x1d8: {  	p0 =	sne.s32 s0, $0x0;
	s0 =	rddreg [dreg:$0x4]  }
0x1d9: {  	s0 =	sadd.s32 @!p0 $0x100000, s0  }
0x1da: {  	[sflag:s0] =	ssyncadd.tile.s32 @!p0 $0x1;
	_ =	shalt  }
.Lfunc_end2:
_tile_overlayer_lowered:
.L_overlay_start_2:
0x1db: {  	(tag) =	ssettag $0x2  }
0x1dc: {  	s0 =	rddreg [dreg:$0x0];
	s2 =	stileid.u32  }
0x1dd: {  	s1 =	rddreg [dreg:$0x1];
	p0 =	sne.s32 s2, $0x0  }
0x1de: {  	s3 =	rddreg [dreg:$0x2];
	[bflag:$0x3] =	sbarrier.arrive $0xFFFF;
	s2 =	simm.s32 @!p0 $0x1C0B  }
0x1df: {  	[timem:s3], [sflag:s2] =	dma.local @!p0 [hbm:s0], s1  }
0x1e0: {  	s0 =	simm.s32 @!p0 $0xB  }
0x1e1: {  	_ =	swait.ge @!p0 [sflag:s0], s1  }
0x1e2: {  	s1 =	ssub.s32 @!p0 $0x0, s1;
	[sflag:s0] =	ssyncset.done @!p0 $0x0  }
0x1e3: {  	[sflag:s0] =	ssyncadd.s32 @!p0 s1  }
0x1e4: {  	[bflag:$0x3] =	sbarrier.arrive $0xFFFF  }
0x1e5: {  	_ =	shalt  }

</sc_bundles>
